<compile_context>
chip_gen: v7x
topology: tpu7x:2x2x1
jax: 0.10.2.dev20260603
libtpu: 0.0.44.dev20260713+nightly
codegen_flags: <defaults>
</compile_context>

<pallas_src>
import jax
import jax.numpy as jnp
from jax.experimental import pallas as pl
from jax.experimental.pallas import tpu as pltpu
from jax.experimental.pallas import tpu_sc as plsc

_T = 8192
_D = 1024
_O = 1024
_E = 8

_RB = 1024
_B = 256
_NBLK = _T // _B + _E
_CAP = _NBLK * _B

_C = 64
_W = 16


def _router_kernel(x_ref, wr1_ref, br1_ref, wr2_ref, br2_ref, s_ref):
    h = jnp.dot(x_ref[...], wr1_ref[...], preferred_element_type=jnp.float32)
    h = jnp.maximum(h + br1_ref[...], 0.0)
    s = jnp.dot(h, wr2_ref[...], preferred_element_type=jnp.float32)
    s_ref[...] = jnp.transpose(s + br2_ref[...])


def _dispatch_kernel(s3_ref, pos_ref, blk_ref):
    s = [s3_ref[e] for e in range(_E)]
    m = s[0]
    for e in range(1, _E):
        m = jnp.maximum(m, s[e])
    eidx = jnp.full((_C, 128), _E - 1, jnp.int32)
    for e in range(_E - 2, -1, -1):
        eidx = jnp.where(s[e] == m, e, eidx)

    jj = jax.lax.broadcasted_iota(jnp.int32, (128, 128), 0)
    rr = jax.lax.broadcasted_iota(jnp.int32, (128, 128), 1)
    U = (jj < rr).astype(jnp.float32)
    cc = jax.lax.broadcasted_iota(jnp.int32, (_C, _C), 0)
    cp = jax.lax.broadcasted_iota(jnp.int32, (_C, _C), 1)
    A = (cp < cc).astype(jnp.float32)

    pos = jnp.zeros((_C, 128), jnp.float32)
    cum = jnp.zeros((1, 1), jnp.float32)
    cum_list = []
    for e in range(_E):
        oh = (eidx == e).astype(jnp.float32)
        within = jnp.dot(oh, U, preferred_element_type=jnp.float32)
        tot = jnp.sum(oh, axis=1, keepdims=True)
        prefix = jnp.dot(A, tot, preferred_element_type=jnp.float32)
        rank = within + prefix
        cnt = jnp.sum(tot).reshape(1, 1)
        nblk = jnp.floor((cnt + (_B - 1)) * (1.0 / _B))
        pos = pos + oh * (cum * _B + rank)
        cum = cum + nblk
        cum_list.append(cum)
    pos_ref[...] = pos.astype(jnp.int32)

    gi = jax.lax.broadcasted_iota(jnp.int32, (1, _NBLK), 1).astype(jnp.float32)
    be = jnp.zeros((1, _NBLK), jnp.float32)
    for e in range(_E - 1):
        be = be + (gi >= cum_list[e]).astype(jnp.float32)
    blk_ref[...] = be.astype(jnp.int32)


def _expert_kernel(be_ref, xs_ref, w_ref, b_ref, out_ref):
    del be_ref
    acc = jnp.dot(xs_ref[...], w_ref[...], preferred_element_type=jnp.float32)
    out_ref[...] = acc + b_ref[0]


_NC = 2
_NS = 16
_NW = _NC * _NS
_PER = _T // _NW
_CH = 64
_NCH = _PER // _CH


def _vector_mesh():
    return plsc.VectorSubcoreMesh(core_axis_name="c", subcore_axis_name="s")


_SC_SCRATCH = [pltpu.VMEM((_NCH, _CH), jnp.int32),
               pltpu.VMEM((_CH, _D), jnp.float32),
               pltpu.SemaphoreType.DMA]


def _sc_scatter(x, pos):
    @pl.kernel(out_type=jax.ShapeDtypeStruct((_CAP, _D), x.dtype),
               mesh=_vector_mesh(), scratch_types=_SC_SCRATCH)
    def run(x_hbm, i_hbm, o_hbm, idx_v, rows_v, sem):
        wid = jax.lax.axis_index("s") * _NC + jax.lax.axis_index("c")
        base = wid * _PER
        pltpu.sync_copy(i_hbm.at[pl.ds(wid * _NCH, _NCH)], idx_v)
        for t in range(_NCH):
            pltpu.sync_copy(x_hbm.at[pl.ds(base + t * _CH, _CH)], rows_v)
            pltpu.async_copy(rows_v, o_hbm.at[idx_v.at[t]], sem).wait()

    return run(x, pos)


def _sc_gather(src, pos):
    @pl.kernel(out_type=jax.ShapeDtypeStruct((_T, _D), src.dtype),
               mesh=_vector_mesh(), scratch_types=_SC_SCRATCH)
    def run(src_hbm, i_hbm, o_hbm, idx_v, rows_v, sem):
        wid = jax.lax.axis_index("s") * _NC + jax.lax.axis_index("c")
        base = wid * _PER
        pltpu.sync_copy(i_hbm.at[pl.ds(wid * _NCH, _NCH)], idx_v)
        for t in range(_NCH):
            pltpu.async_copy(src_hbm.at[idx_v.at[t]], rows_v, sem).wait()
            pltpu.sync_copy(rows_v, o_hbm.at[pl.ds(base + t * _CH, _CH)])

    return run(src, pos)


@jax.jit
def kernel(x, W_exp, b_exp, W_r1, b_r1, W_r2, b_r2):
    scores = pl.pallas_call(
        _router_kernel,
        grid=(_T // _RB,),
        in_specs=[
            pl.BlockSpec((_RB, _D), lambda i: (i, 0)),
            pl.BlockSpec((_D, 2 * _D), lambda i: (0, 0)),
            pl.BlockSpec((1, 2 * _D), lambda i: (0, 0)),
            pl.BlockSpec((2 * _D, _E), lambda i: (0, 0)),
            pl.BlockSpec((1, _E), lambda i: (0, 0)),
        ],
        out_specs=pl.BlockSpec((_E, _RB), lambda i: (0, i)),
        out_shape=jax.ShapeDtypeStruct((_E, _T), jnp.float32),
    )(x, W_r1, b_r1.reshape(1, -1), W_r2, b_r2.reshape(1, -1))

    s3 = scores.reshape(_E, _C, 128)
    pos2d, blk = pl.pallas_call(
        _dispatch_kernel,
        grid=(1,),
        in_specs=[pl.BlockSpec((_E, _C, 128), lambda i: (0, 0, 0))],
        out_specs=[pl.BlockSpec((_C, 128), lambda i: (0, 0)),
                   pl.BlockSpec((1, _NBLK), lambda i: (0, 0))],
        out_shape=[jax.ShapeDtypeStruct((_C, 128), jnp.int32),
                   jax.ShapeDtypeStruct((1, _NBLK), jnp.int32)],
    )(s3)
    pos = pos2d.reshape(_T // _CH, _CH)
    blk_exp = blk.reshape(_NBLK)

    x_sorted = _sc_scatter(x, pos)

    out_sorted = pl.pallas_call(
        _expert_kernel,
        grid_spec=pltpu.PrefetchScalarGridSpec(
            num_scalar_prefetch=1,
            grid=(_NBLK,),
            in_specs=[
                pl.BlockSpec((_B, _D), lambda g, be: (g, 0)),
                pl.BlockSpec((_D, _O), lambda g, be: (0, be[g])),
                pl.BlockSpec((1, 1, _O), lambda g, be: (be[g], 0, 0)),
            ],
            out_specs=pl.BlockSpec((_B, _O), lambda g, be: (g, 0)),
        ),
        out_shape=jax.ShapeDtypeStruct((_CAP, _O), jnp.float32),
    )(blk_exp, x_sorted, W_exp, b_exp.reshape(_E, 1, _O))

    return _sc_gather(out_sorted, pos)

# --- scband reference (transcript-rebuilt; emitter-appended) ---
"""Pipeline reference for scband-hard-mo-eprojection-21663815041490 (READ-ONLY COPY).

The authoritative reference and input builder live on the scoring server;
editing this copy changes nothing except your own understanding.
"""

import jax, jax.numpy as jnp
import numpy as np

INPUT_DIM = 1024
OUTPUT_DIM = 1024
NUM_EXPERTS = 8
TOKENS = 8192


def setup_inputs(seed: int = 0) -> dict:
    key = jax.random.key(seed)
    ks = jax.random.split(key, 8)
    x = jax.random.normal(ks[0], (TOKENS, INPUT_DIM), dtype=jnp.float32)
    # experts: Linear(input_dim, output_dim * num_experts)
    W_exp = jax.random.normal(ks[1], (INPUT_DIM, OUTPUT_DIM * NUM_EXPERTS), dtype=jnp.float32) * (1.0 / np.sqrt(INPUT_DIM))
    b_exp = jnp.zeros((OUTPUT_DIM * NUM_EXPERTS,), dtype=jnp.float32)
    # router: Linear(input_dim, 2*input_dim) -> ReLU -> Linear(2*input_dim, num_experts)
    W_r1 = jax.random.normal(ks[2], (INPUT_DIM, 2 * INPUT_DIM), dtype=jnp.float32) * (1.0 / np.sqrt(INPUT_DIM))
    b_r1 = jnp.zeros((2 * INPUT_DIM,), dtype=jnp.float32)
    W_r2 = jax.random.normal(ks[3], (2 * INPUT_DIM, NUM_EXPERTS), dtype=jnp.float32) * (1.0 / np.sqrt(2 * INPUT_DIM))
    b_r2 = jnp.zeros((NUM_EXPERTS,), dtype=jnp.float32)
    return {"x": x, "W_exp": W_exp, "b_exp": b_exp, "W_r1": W_r1, "b_r1": b_r1, "W_r2": W_r2, "b_r2": b_r2}


def reference(x, W_exp, b_exp, W_r1, b_r1, W_r2, b_r2):
    # routing_scores = self.router(x)
    h = jax.nn.relu(x @ W_r1 + b_r1)
    routing_scores = h @ W_r2 + b_r2
    # hard expert selection (argmax -> one-hot, no grad through scores)
    expert_indices = jnp.argmax(routing_scores, axis=-1)
    routing_weights = jax.nn.one_hot(expert_indices, NUM_EXPERTS, dtype=routing_scores.dtype)
    # all-experts projection
    experts_output = x @ W_exp + b_exp
    experts_output = experts_output.reshape(x.shape[0], NUM_EXPERTS, OUTPUT_DIM)
    weighted_output = experts_output * routing_weights[:, :, None]
    output = weighted_output.sum(axis=1)
    return output

if __name__ == "__main__":
    import jax
    _d = setup_inputs()
    print(jax.jit(kernel)(*tuple(_d.values())))

</pallas_src>

<mosaic_0001>
#map = affine_map<(d0, d1) -> (0, 0)>
module attributes {stable_mosaic.version = 14 : i64} {
  func.func @run(%arg0: i32, %arg1: i32, %arg2: memref<10240x1024xf32, #tpu.memory_space<hbm>>, %arg3: memref<128x64xi32, #tpu.memory_space<hbm>>, %arg4: memref<8192x1024xf32, #tpu.memory_space<hbm>>, %arg5: memref<4x64xi32, #tpu.memory_space<vmem>>, %arg6: memref<64x1024xf32, #tpu.memory_space<vmem>>, %arg7: memref<!tpu.dma_semaphore, #tpu.memory_space<semaphore_mem>>) attributes {dimension_semantics = [#tpu.dimension_semantics<core_parallel>, #tpu.dimension_semantics<subcore_parallel>], iteration_bounds = array<i64: 2, 16>, scalar_prefetch = 0 : i64, scratch_operands = 3 : i64, tpu.core_type = #tpu.core_type<sc_vector_subcore>, window_params = [{transform_indices = #map}, {transform_indices = #map}, {transform_indices = #map}]} {
    %mul3A = arith.constant 2 : i32
    %mul3A_0 = arith.muli %arg1, %mul3A : i32
    %add3A = arith.addi %mul3A_0, %arg0 : i32
    %mul3A_1 = arith.constant 256 : i32
    %mul3A_2 = arith.muli %add3A, %mul3A_1 : i32
    %mul3A_3 = arith.constant 4 : i32
    %mul3A_4 = arith.muli %add3A, %mul3A_3 : i32
    "tpu.region"() ({
      %run_scoped3A = tpu.sem_alloc : memref<!tpu.dma_semaphore, #tpu.memory_space<semaphore_mem>>
      %dma_start3A_67 = arith.constant 0 : i32
      %dma_start3A_68 = tpu.memref_slice %arg3[%mul3A_4, %dma_start3A_67] : memref<128x64xi32, #tpu.memory_space<hbm>> -> memref<4x64xi32, #tpu.memory_space<hbm>>
      %dma_start3A_69 = arith.constant 0 : i32
      %dma_start3A_70 = tpu.memref_slice %arg3[%mul3A_4, %dma_start3A_69] : memref<128x64xi32, #tpu.memory_space<hbm>> -> memref<4x64xi32, #tpu.memory_space<hbm>>
      tpu.enqueue_dma source(%dma_start3A_70 : memref<4x64xi32, #tpu.memory_space<hbm>>) target(%arg5 : memref<4x64xi32, #tpu.memory_space<vmem>>) target_semaphore(%run_scoped3A : memref<!tpu.dma_semaphore, #tpu.memory_space<semaphore_mem>>)
      %dma_wait3A_71 = arith.constant 0 : i32
      %dma_wait3A_72 = tpu.memref_slice %arg3[%mul3A_4, %dma_wait3A_71] : memref<128x64xi32, #tpu.memory_space<hbm>> -> memref<4x64xi32, #tpu.memory_space<hbm>>
      %dma_wait3A_73 = arith.constant 0 : i32
      %dma_wait3A_74 = tpu.memref_slice %arg3[%mul3A_4, %dma_wait3A_73] : memref<128x64xi32, #tpu.memory_space<hbm>> -> memref<4x64xi32, #tpu.memory_space<hbm>>
      tpu.wait_dma2 semaphore(%run_scoped3A : memref<!tpu.dma_semaphore, #tpu.memory_space<semaphore_mem>>) src(%dma_wait3A_74 : memref<4x64xi32, #tpu.memory_space<hbm>>) dst(%arg5 : memref<4x64xi32, #tpu.memory_space<vmem>>)
      tpu.yield
    }) : () -> ()
    %dma_start3A = arith.constant 0 : i32
    %dma_start3A_5 = arith.constant 0 : i32
    %dma_start3A_6 = tpu.memref_slice %arg5[%dma_start3A, %dma_start3A_5] : memref<4x64xi32, #tpu.memory_space<vmem>> -> memref<1x64xi32, #tpu.memory_space<vmem>>
    %dma_start3A_7 = tpu.memref_squeeze %dma_start3A_6 : memref<1x64xi32, #tpu.memory_space<vmem>> -> memref<64xi32, #tpu.memory_space<vmem>>
    %dma_start3A_8 = arith.constant 0 : i32
    %dma_start3A_9 = arith.constant 0 : i32
    %dma_start3A_10 = tpu.memref_slice %arg2[%dma_start3A_8, %dma_start3A_9] : memref<10240x1024xf32, #tpu.memory_space<hbm>> -> memref<10240x1024xf32, #tpu.memory_space<hbm>>
    tpu.enqueue_indirect_dma source(%dma_start3A_10 : memref<10240x1024xf32, #tpu.memory_space<hbm>>) target(%arg6 : memref<64x1024xf32, #tpu.memory_space<vmem>>) offsets(%dma_start3A_7 : memref<64xi32, #tpu.memory_space<vmem>>) semaphore(%arg7 : memref<!tpu.dma_semaphore, #tpu.memory_space<semaphore_mem>>)
    %dma_wait3A = arith.constant 0 : i32
    %dma_wait3A_11 = arith.constant 0 : i32
    %dma_wait3A_12 = tpu.memref_slice %arg5[%dma_wait3A, %dma_wait3A_11] : memref<4x64xi32, #tpu.memory_space<vmem>> -> memref<1x64xi32, #tpu.memory_space<vmem>>
    %dma_wait3A_13 = tpu.memref_squeeze %dma_wait3A_12 : memref<1x64xi32, #tpu.memory_space<vmem>> -> memref<64xi32, #tpu.memory_space<vmem>>
    %dma_wait3A_14 = arith.constant 0 : i32
    %dma_wait3A_15 = arith.constant 0 : i32
    %dma_wait3A_16 = tpu.memref_slice %arg2[%dma_wait3A_14, %dma_wait3A_15] : memref<10240x1024xf32, #tpu.memory_space<hbm>> -> memref<10240x1024xf32, #tpu.memory_space<hbm>>
    tpu.wait_indirect_dma semaphore(%arg7 : memref<!tpu.dma_semaphore, #tpu.memory_space<semaphore_mem>>) src(%dma_wait3A_16 : memref<10240x1024xf32, #tpu.memory_space<hbm>>) dst(%arg6 : memref<64x1024xf32, #tpu.memory_space<vmem>>)
    %add3A_17 = arith.constant 0 : i32
    %add3A_18 = arith.addi %mul3A_2, %add3A_17 : i32
    "tpu.region"() ({
      %run_scoped3A = tpu.sem_alloc : memref<!tpu.dma_semaphore, #tpu.memory_space<semaphore_mem>>
      %dma_start3A_67 = arith.constant 0 : i32
      %dma_start3A_68 = tpu.memref_slice %arg4[%add3A_18, %dma_start3A_67] : memref<8192x1024xf32, #tpu.memory_space<hbm>> -> memref<64x1024xf32, #tpu.memory_space<hbm>>
      %dma_start3A_69 = arith.constant 0 : i32
      %dma_start3A_70 = tpu.memref_slice %arg4[%add3A_18, %dma_start3A_69] : memref<8192x1024xf32, #tpu.memory_space<hbm>> -> memref<64x1024xf32, #tpu.memory_space<hbm>>
      tpu.enqueue_dma source(%arg6 : memref<64x1024xf32, #tpu.memory_space<vmem>>) target(%dma_start3A_70 : memref<64x1024xf32, #tpu.memory_space<hbm>>) target_semaphore(%run_scoped3A : memref<!tpu.dma_semaphore, #tpu.memory_space<semaphore_mem>>)
      %dma_wait3A_71 = arith.constant 0 : i32
      %dma_wait3A_72 = tpu.memref_slice %arg4[%add3A_18, %dma_wait3A_71] : memref<8192x1024xf32, #tpu.memory_space<hbm>> -> memref<64x1024xf32, #tpu.memory_space<hbm>>
      %dma_wait3A_73 = arith.constant 0 : i32
      %dma_wait3A_74 = tpu.memref_slice %arg4[%add3A_18, %dma_wait3A_73] : memref<8192x1024xf32, #tpu.memory_space<hbm>> -> memref<64x1024xf32, #tpu.memory_space<hbm>>
      tpu.wait_dma2 semaphore(%run_scoped3A : memref<!tpu.dma_semaphore, #tpu.memory_space<semaphore_mem>>) src(%arg6 : memref<64x1024xf32, #tpu.memory_space<vmem>>) dst(%dma_wait3A_74 : memref<64x1024xf32, #tpu.memory_space<hbm>>)
      tpu.yield
    }) : () -> ()
    %dma_start3A_19 = arith.constant 1 : i32
    %dma_start3A_20 = arith.constant 0 : i32
    %dma_start3A_21 = tpu.memref_slice %arg5[%dma_start3A_19, %dma_start3A_20] : memref<4x64xi32, #tpu.memory_space<vmem>> -> memref<1x64xi32, #tpu.memory_space<vmem>>
    %dma_start3A_22 = tpu.memref_squeeze %dma_start3A_21 : memref<1x64xi32, #tpu.memory_space<vmem>> -> memref<64xi32, #tpu.memory_space<vmem>>
    %dma_start3A_23 = arith.constant 0 : i32
    %dma_start3A_24 = arith.constant 0 : i32
    %dma_start3A_25 = tpu.memref_slice %arg2[%dma_start3A_23, %dma_start3A_24] : memref<10240x1024xf32, #tpu.memory_space<hbm>> -> memref<10240x1024xf32, #tpu.memory_space<hbm>>
    tpu.enqueue_indirect_dma source(%dma_start3A_25 : memref<10240x1024xf32, #tpu.memory_space<hbm>>) target(%arg6 : memref<64x1024xf32, #tpu.memory_space<vmem>>) offsets(%dma_start3A_22 : memref<64xi32, #tpu.memory_space<vmem>>) semaphore(%arg7 : memref<!tpu.dma_semaphore, #tpu.memory_space<semaphore_mem>>)
    %dma_wait3A_26 = arith.constant 1 : i32
    %dma_wait3A_27 = arith.constant 0 : i32
    %dma_wait3A_28 = tpu.memref_slice %arg5[%dma_wait3A_26, %dma_wait3A_27] : memref<4x64xi32, #tpu.memory_space<vmem>> -> memref<1x64xi32, #tpu.memory_space<vmem>>
    %dma_wait3A_29 = tpu.memref_squeeze %dma_wait3A_28 : memref<1x64xi32, #tpu.memory_space<vmem>> -> memref<64xi32, #tpu.memory_space<vmem>>
    %dma_wait3A_30 = arith.constant 0 : i32
    %dma_wait3A_31 = arith.constant 0 : i32
    %dma_wait3A_32 = tpu.memref_slice %arg2[%dma_wait3A_30, %dma_wait3A_31] : memref<10240x1024xf32, #tpu.memory_space<hbm>> -> memref<10240x1024xf32, #tpu.memory_space<hbm>>
    tpu.wait_indirect_dma semaphore(%arg7 : memref<!tpu.dma_semaphore, #tpu.memory_space<semaphore_mem>>) src(%dma_wait3A_32 : memref<10240x1024xf32, #tpu.memory_space<hbm>>) dst(%arg6 : memref<64x1024xf32, #tpu.memory_space<vmem>>)
    %add3A_33 = arith.constant 64 : i32
    %add3A_34 = arith.addi %mul3A_2, %add3A_33 : i32
    "tpu.region"() ({
      %run_scoped3A = tpu.sem_alloc : memref<!tpu.dma_semaphore, #tpu.memory_space<semaphore_mem>>
      %dma_start3A_67 = arith.constant 0 : i32
      %dma_start3A_68 = tpu.memref_slice %arg4[%add3A_34, %dma_start3A_67] : memref<8192x1024xf32, #tpu.memory_space<hbm>> -> memref<64x1024xf32, #tpu.memory_space<hbm>>
      %dma_start3A_69 = arith.constant 0 : i32
      %dma_start3A_70 = tpu.memref_slice %arg4[%add3A_34, %dma_start3A_69] : memref<8192x1024xf32, #tpu.memory_space<hbm>> -> memref<64x1024xf32, #tpu.memory_space<hbm>>
      tpu.enqueue_dma source(%arg6 : memref<64x1024xf32, #tpu.memory_space<vmem>>) target(%dma_start3A_70 : memref<64x1024xf32, #tpu.memory_space<hbm>>) target_semaphore(%run_scoped3A : memref<!tpu.dma_semaphore, #tpu.memory_space<semaphore_mem>>)
      %dma_wait3A_71 = arith.constant 0 : i32
      %dma_wait3A_72 = tpu.memref_slice %arg4[%add3A_34, %dma_wait3A_71] : memref<8192x1024xf32, #tpu.memory_space<hbm>> -> memref<64x1024xf32, #tpu.memory_space<hbm>>
      %dma_wait3A_73 = arith.constant 0 : i32
      %dma_wait3A_74 = tpu.memref_slice %arg4[%add3A_34, %dma_wait3A_73] : memref<8192x1024xf32, #tpu.memory_space<hbm>> -> memref<64x1024xf32, #tpu.memory_space<hbm>>
      tpu.wait_dma2 semaphore(%run_scoped3A : memref<!tpu.dma_semaphore, #tpu.memory_space<semaphore_mem>>) src(%arg6 : memref<64x1024xf32, #tpu.memory_space<vmem>>) dst(%dma_wait3A_74 : memref<64x1024xf32, #tpu.memory_space<hbm>>)
      tpu.yield
    }) : () -> ()
    %dma_start3A_35 = arith.constant 2 : i32
    %dma_start3A_36 = arith.constant 0 : i32
    %dma_start3A_37 = tpu.memref_slice %arg5[%dma_start3A_35, %dma_start3A_36] : memref<4x64xi32, #tpu.memory_space<vmem>> -> memref<1x64xi32, #tpu.memory_space<vmem>>
    %dma_start3A_38 = tpu.memref_squeeze %dma_start3A_37 : memref<1x64xi32, #tpu.memory_space<vmem>> -> memref<64xi32, #tpu.memory_space<vmem>>
    %dma_start3A_39 = arith.constant 0 : i32
    %dma_start3A_40 = arith.constant 0 : i32
    %dma_start3A_41 = tpu.memref_slice %arg2[%dma_start3A_39, %dma_start3A_40] : memref<10240x1024xf32, #tpu.memory_space<hbm>> -> memref<10240x1024xf32, #tpu.memory_space<hbm>>
    tpu.enqueue_indirect_dma source(%dma_start3A_41 : memref<10240x1024xf32, #tpu.memory_space<hbm>>) target(%arg6 : memref<64x1024xf32, #tpu.memory_space<vmem>>) offsets(%dma_start3A_38 : memref<64xi32, #tpu.memory_space<vmem>>) semaphore(%arg7 : memref<!tpu.dma_semaphore, #tpu.memory_space<semaphore_mem>>)
    %dma_wait3A_42 = arith.constant 2 : i32
    %dma_wait3A_43 = arith.constant 0 : i32
    %dma_wait3A_44 = tpu.memref_slice %arg5[%dma_wait3A_42, %dma_wait3A_43] : memref<4x64xi32, #tpu.memory_space<vmem>> -> memref<1x64xi32, #tpu.memory_space<vmem>>
    %dma_wait3A_45 = tpu.memref_squeeze %dma_wait3A_44 : memref<1x64xi32, #tpu.memory_space<vmem>> -> memref<64xi32, #tpu.memory_space<vmem>>
    %dma_wait3A_46 = arith.constant 0 : i32
    %dma_wait3A_47 = arith.constant 0 : i32
    %dma_wait3A_48 = tpu.memref_slice %arg2[%dma_wait3A_46, %dma_wait3A_47] : memref<10240x1024xf32, #tpu.memory_space<hbm>> -> memref<10240x1024xf32, #tpu.memory_space<hbm>>
    tpu.wait_indirect_dma semaphore(%arg7 : memref<!tpu.dma_semaphore, #tpu.memory_space<semaphore_mem>>) src(%dma_wait3A_48 : memref<10240x1024xf32, #tpu.memory_space<hbm>>) dst(%arg6 : memref<64x1024xf32, #tpu.memory_space<vmem>>)
    %add3A_49 = arith.constant 128 : i32
    %add3A_50 = arith.addi %mul3A_2, %add3A_49 : i32
    "tpu.region"() ({
      %run_scoped3A = tpu.sem_alloc : memref<!tpu.dma_semaphore, #tpu.memory_space<semaphore_mem>>
      %dma_start3A_67 = arith.constant 0 : i32
      %dma_start3A_68 = tpu.memref_slice %arg4[%add3A_50, %dma_start3A_67] : memref<8192x1024xf32, #tpu.memory_space<hbm>> -> memref<64x1024xf32, #tpu.memory_space<hbm>>
      %dma_start3A_69 = arith.constant 0 : i32
      %dma_start3A_70 = tpu.memref_slice %arg4[%add3A_50, %dma_start3A_69] : memref<8192x1024xf32, #tpu.memory_space<hbm>> -> memref<64x1024xf32, #tpu.memory_space<hbm>>
      tpu.enqueue_dma source(%arg6 : memref<64x1024xf32, #tpu.memory_space<vmem>>) target(%dma_start3A_70 : memref<64x1024xf32, #tpu.memory_space<hbm>>) target_semaphore(%run_scoped3A : memref<!tpu.dma_semaphore, #tpu.memory_space<semaphore_mem>>)
      %dma_wait3A_71 = arith.constant 0 : i32
      %dma_wait3A_72 = tpu.memref_slice %arg4[%add3A_50, %dma_wait3A_71] : memref<8192x1024xf32, #tpu.memory_space<hbm>> -> memref<64x1024xf32, #tpu.memory_space<hbm>>
      %dma_wait3A_73 = arith.constant 0 : i32
      %dma_wait3A_74 = tpu.memref_slice %arg4[%add3A_50, %dma_wait3A_73] : memref<8192x1024xf32, #tpu.memory_space<hbm>> -> memref<64x1024xf32, #tpu.memory_space<hbm>>
      tpu.wait_dma2 semaphore(%run_scoped3A : memref<!tpu.dma_semaphore, #tpu.memory_space<semaphore_mem>>) src(%arg6 : memref<64x1024xf32, #tpu.memory_space<vmem>>) dst(%dma_wait3A_74 : memref<64x1024xf32, #tpu.memory_space<hbm>>)
      tpu.yield
    }) : () -> ()
    %dma_start3A_51 = arith.constant 3 : i32
    %dma_start3A_52 = arith.constant 0 : i32
    %dma_start3A_53 = tpu.memref_slice %arg5[%dma_start3A_51, %dma_start3A_52] : memref<4x64xi32, #tpu.memory_space<vmem>> -> memref<1x64xi32, #tpu.memory_space<vmem>>
    %dma_start3A_54 = tpu.memref_squeeze %dma_start3A_53 : memref<1x64xi32, #tpu.memory_space<vmem>> -> memref<64xi32, #tpu.memory_space<vmem>>
    %dma_start3A_55 = arith.constant 0 : i32
    %dma_start3A_56 = arith.constant 0 : i32
    %dma_start3A_57 = tpu.memref_slice %arg2[%dma_start3A_55, %dma_start3A_56] : memref<10240x1024xf32, #tpu.memory_space<hbm>> -> memref<10240x1024xf32, #tpu.memory_space<hbm>>
    tpu.enqueue_indirect_dma source(%dma_start3A_57 : memref<10240x1024xf32, #tpu.memory_space<hbm>>) target(%arg6 : memref<64x1024xf32, #tpu.memory_space<vmem>>) offsets(%dma_start3A_54 : memref<64xi32, #tpu.memory_space<vmem>>) semaphore(%arg7 : memref<!tpu.dma_semaphore, #tpu.memory_space<semaphore_mem>>)
    %dma_wait3A_58 = arith.constant 3 : i32
    %dma_wait3A_59 = arith.constant 0 : i32
    %dma_wait3A_60 = tpu.memref_slice %arg5[%dma_wait3A_58, %dma_wait3A_59] : memref<4x64xi32, #tpu.memory_space<vmem>> -> memref<1x64xi32, #tpu.memory_space<vmem>>
    %dma_wait3A_61 = tpu.memref_squeeze %dma_wait3A_60 : memref<1x64xi32, #tpu.memory_space<vmem>> -> memref<64xi32, #tpu.memory_space<vmem>>
    %dma_wait3A_62 = arith.constant 0 : i32
    %dma_wait3A_63 = arith.constant 0 : i32
    %dma_wait3A_64 = tpu.memref_slice %arg2[%dma_wait3A_62, %dma_wait3A_63] : memref<10240x1024xf32, #tpu.memory_space<hbm>> -> memref<10240x1024xf32, #tpu.memory_space<hbm>>
    tpu.wait_indirect_dma semaphore(%arg7 : memref<!tpu.dma_semaphore, #tpu.memory_space<semaphore_mem>>) src(%dma_wait3A_64 : memref<10240x1024xf32, #tpu.memory_space<hbm>>) dst(%arg6 : memref<64x1024xf32, #tpu.memory_space<vmem>>)
    %add3A_65 = arith.constant 192 : i32
    %add3A_66 = arith.addi %mul3A_2, %add3A_65 : i32
    "tpu.region"() ({
      %run_scoped3A = tpu.sem_alloc : memref<!tpu.dma_semaphore, #tpu.memory_space<semaphore_mem>>
      %dma_start3A_67 = arith.constant 0 : i32
      %dma_start3A_68 = tpu.memref_slice %arg4[%add3A_66, %dma_start3A_67] : memref<8192x1024xf32, #tpu.memory_space<hbm>> -> memref<64x1024xf32, #tpu.memory_space<hbm>>
      %dma_start3A_69 = arith.constant 0 : i32
      %dma_start3A_70 = tpu.memref_slice %arg4[%add3A_66, %dma_start3A_69] : memref<8192x1024xf32, #tpu.memory_space<hbm>> -> memref<64x1024xf32, #tpu.memory_space<hbm>>
      tpu.enqueue_dma source(%arg6 : memref<64x1024xf32, #tpu.memory_space<vmem>>) target(%dma_start3A_70 : memref<64x1024xf32, #tpu.memory_space<hbm>>) target_semaphore(%run_scoped3A : memref<!tpu.dma_semaphore, #tpu.memory_space<semaphore_mem>>)
      %dma_wait3A_71 = arith.constant 0 : i32
      %dma_wait3A_72 = tpu.memref_slice %arg4[%add3A_66, %dma_wait3A_71] : memref<8192x1024xf32, #tpu.memory_space<hbm>> -> memref<64x1024xf32, #tpu.memory_space<hbm>>
      %dma_wait3A_73 = arith.constant 0 : i32
      %dma_wait3A_74 = tpu.memref_slice %arg4[%add3A_66, %dma_wait3A_73] : memref<8192x1024xf32, #tpu.memory_space<hbm>> -> memref<64x1024xf32, #tpu.memory_space<hbm>>
      tpu.wait_dma2 semaphore(%run_scoped3A : memref<!tpu.dma_semaphore, #tpu.memory_space<semaphore_mem>>) src(%arg6 : memref<64x1024xf32, #tpu.memory_space<vmem>>) dst(%dma_wait3A_74 : memref<64x1024xf32, #tpu.memory_space<hbm>>)
      tpu.yield
    }) : () -> ()
    return
  }
}

#map = affine_map<(d0, d1) -> (0, 0)>
module attributes {stable_mosaic.version = 14 : i64} {
  func.func @run(%arg0: i32, %arg1: i32, %arg2: memref<8192x1024xf32, #tpu.memory_space<hbm>>, %arg3: memref<128x64xi32, #tpu.memory_space<hbm>>, %arg4: memref<10240x1024xf32, #tpu.memory_space<hbm>>, %arg5: memref<4x64xi32, #tpu.memory_space<vmem>>, %arg6: memref<64x1024xf32, #tpu.memory_space<vmem>>, %arg7: memref<!tpu.dma_semaphore, #tpu.memory_space<semaphore_mem>>) attributes {dimension_semantics = [#tpu.dimension_semantics<core_parallel>, #tpu.dimension_semantics<subcore_parallel>], iteration_bounds = array<i64: 2, 16>, scalar_prefetch = 0 : i64, scratch_operands = 3 : i64, tpu.core_type = #tpu.core_type<sc_vector_subcore>, window_params = [{transform_indices = #map}, {transform_indices = #map}, {transform_indices = #map}]} {
    %mul3A = arith.constant 2 : i32
    %mul3A_0 = arith.muli %arg1, %mul3A : i32
    %add3A = arith.addi %mul3A_0, %arg0 : i32
    %mul3A_1 = arith.constant 256 : i32
    %mul3A_2 = arith.muli %add3A, %mul3A_1 : i32
    %mul3A_3 = arith.constant 4 : i32
    %mul3A_4 = arith.muli %add3A, %mul3A_3 : i32
    "tpu.region"() ({
      %run_scoped3A = tpu.sem_alloc : memref<!tpu.dma_semaphore, #tpu.memory_space<semaphore_mem>>
      %dma_start3A_67 = arith.constant 0 : i32
      %dma_start3A_68 = tpu.memref_slice %arg3[%mul3A_4, %dma_start3A_67] : memref<128x64xi32, #tpu.memory_space<hbm>> -> memref<4x64xi32, #tpu.memory_space<hbm>>
      %dma_start3A_69 = arith.constant 0 : i32
      %dma_start3A_70 = tpu.memref_slice %arg3[%mul3A_4, %dma_start3A_69] : memref<128x64xi32, #tpu.memory_space<hbm>> -> memref<4x64xi32, #tpu.memory_space<hbm>>
      tpu.enqueue_dma source(%dma_start3A_70 : memref<4x64xi32, #tpu.memory_space<hbm>>) target(%arg5 : memref<4x64xi32, #tpu.memory_space<vmem>>) target_semaphore(%run_scoped3A : memref<!tpu.dma_semaphore, #tpu.memory_space<semaphore_mem>>)
      %dma_wait3A_71 = arith.constant 0 : i32
      %dma_wait3A_72 = tpu.memref_slice %arg3[%mul3A_4, %dma_wait3A_71] : memref<128x64xi32, #tpu.memory_space<hbm>> -> memref<4x64xi32, #tpu.memory_space<hbm>>
      %dma_wait3A_73 = arith.constant 0 : i32
      %dma_wait3A_74 = tpu.memref_slice %arg3[%mul3A_4, %dma_wait3A_73] : memref<128x64xi32, #tpu.memory_space<hbm>> -> memref<4x64xi32, #tpu.memory_space<hbm>>
      tpu.wait_dma2 semaphore(%run_scoped3A : memref<!tpu.dma_semaphore, #tpu.memory_space<semaphore_mem>>) src(%dma_wait3A_74 : memref<4x64xi32, #tpu.memory_space<hbm>>) dst(%arg5 : memref<4x64xi32, #tpu.memory_space<vmem>>)
      tpu.yield
    }) : () -> ()
    %add3A_5 = arith.constant 0 : i32
    %add3A_6 = arith.addi %mul3A_2, %add3A_5 : i32
    "tpu.region"() ({
      %run_scoped3A = tpu.sem_alloc : memref<!tpu.dma_semaphore, #tpu.memory_space<semaphore_mem>>
      %dma_start3A_67 = arith.constant 0 : i32
      %dma_start3A_68 = tpu.memref_slice %arg2[%add3A_6, %dma_start3A_67] : memref<8192x1024xf32, #tpu.memory_space<hbm>> -> memref<64x1024xf32, #tpu.memory_space<hbm>>
      %dma_start3A_69 = arith.constant 0 : i32
      %dma_start3A_70 = tpu.memref_slice %arg2[%add3A_6, %dma_start3A_69] : memref<8192x1024xf32, #tpu.memory_space<hbm>> -> memref<64x1024xf32, #tpu.memory_space<hbm>>
      tpu.enqueue_dma source(%dma_start3A_70 : memref<64x1024xf32, #tpu.memory_space<hbm>>) target(%arg6 : memref<64x1024xf32, #tpu.memory_space<vmem>>) target_semaphore(%run_scoped3A : memref<!tpu.dma_semaphore, #tpu.memory_space<semaphore_mem>>)
      %dma_wait3A_71 = arith.constant 0 : i32
      %dma_wait3A_72 = tpu.memref_slice %arg2[%add3A_6, %dma_wait3A_71] : memref<8192x1024xf32, #tpu.memory_space<hbm>> -> memref<64x1024xf32, #tpu.memory_space<hbm>>
      %dma_wait3A_73 = arith.constant 0 : i32
      %dma_wait3A_74 = tpu.memref_slice %arg2[%add3A_6, %dma_wait3A_73] : memref<8192x1024xf32, #tpu.memory_space<hbm>> -> memref<64x1024xf32, #tpu.memory_space<hbm>>
      tpu.wait_dma2 semaphore(%run_scoped3A : memref<!tpu.dma_semaphore, #tpu.memory_space<semaphore_mem>>) src(%dma_wait3A_74 : memref<64x1024xf32, #tpu.memory_space<hbm>>) dst(%arg6 : memref<64x1024xf32, #tpu.memory_space<vmem>>)
      tpu.yield
    }) : () -> ()
    %dma_start3A = arith.constant 0 : i32
    %dma_start3A_7 = arith.constant 0 : i32
    %dma_start3A_8 = tpu.memref_slice %arg5[%dma_start3A, %dma_start3A_7] : memref<4x64xi32, #tpu.memory_space<vmem>> -> memref<1x64xi32, #tpu.memory_space<vmem>>
    %dma_start3A_9 = tpu.memref_squeeze %dma_start3A_8 : memref<1x64xi32, #tpu.memory_space<vmem>> -> memref<64xi32, #tpu.memory_space<vmem>>
    %dma_start3A_10 = arith.constant 0 : i32
    %dma_start3A_11 = arith.constant 0 : i32
    %dma_start3A_12 = tpu.memref_slice %arg4[%dma_start3A_10, %dma_start3A_11] : memref<10240x1024xf32, #tpu.memory_space<hbm>> -> memref<10240x1024xf32, #tpu.memory_space<hbm>>
    tpu.enqueue_indirect_dma source(%arg6 : memref<64x1024xf32, #tpu.memory_space<vmem>>) target(%dma_start3A_12 : memref<10240x1024xf32, #tpu.memory_space<hbm>>) offsets(%dma_start3A_9 : memref<64xi32, #tpu.memory_space<vmem>>) semaphore(%arg7 : memref<!tpu.dma_semaphore, #tpu.memory_space<semaphore_mem>>)
    %dma_wait3A = arith.constant 0 : i32
    %dma_wait3A_13 = arith.constant 0 : i32
    %dma_wait3A_14 = tpu.memref_slice %arg5[%dma_wait3A, %dma_wait3A_13] : memref<4x64xi32, #tpu.memory_space<vmem>> -> memref<1x64xi32, #tpu.memory_space<vmem>>
    %dma_wait3A_15 = tpu.memref_squeeze %dma_wait3A_14 : memref<1x64xi32, #tpu.memory_space<vmem>> -> memref<64xi32, #tpu.memory_space<vmem>>
    %dma_wait3A_16 = arith.constant 0 : i32
    %dma_wait3A_17 = arith.constant 0 : i32
    %dma_wait3A_18 = tpu.memref_slice %arg4[%dma_wait3A_16, %dma_wait3A_17] : memref<10240x1024xf32, #tpu.memory_space<hbm>> -> memref<10240x1024xf32, #tpu.memory_space<hbm>>
    tpu.wait_indirect_dma semaphore(%arg7 : memref<!tpu.dma_semaphore, #tpu.memory_space<semaphore_mem>>) src(%arg6 : memref<64x1024xf32, #tpu.memory_space<vmem>>) dst(%dma_wait3A_18 : memref<10240x1024xf32, #tpu.memory_space<hbm>>)
    %add3A_19 = arith.constant 64 : i32
    %add3A_20 = arith.addi %mul3A_2, %add3A_19 : i32
    "tpu.region"() ({
      %run_scoped3A = tpu.sem_alloc : memref<!tpu.dma_semaphore, #tpu.memory_space<semaphore_mem>>
      %dma_start3A_67 = arith.constant 0 : i32
      %dma_start3A_68 = tpu.memref_slice %arg2[%add3A_20, %dma_start3A_67] : memref<8192x1024xf32, #tpu.memory_space<hbm>> -> memref<64x1024xf32, #tpu.memory_space<hbm>>
      %dma_start3A_69 = arith.constant 0 : i32
      %dma_start3A_70 = tpu.memref_slice %arg2[%add3A_20, %dma_start3A_69] : memref<8192x1024xf32, #tpu.memory_space<hbm>> -> memref<64x1024xf32, #tpu.memory_space<hbm>>
      tpu.enqueue_dma source(%dma_start3A_70 : memref<64x1024xf32, #tpu.memory_space<hbm>>) target(%arg6 : memref<64x1024xf32, #tpu.memory_space<vmem>>) target_semaphore(%run_scoped3A : memref<!tpu.dma_semaphore, #tpu.memory_space<semaphore_mem>>)
      %dma_wait3A_71 = arith.constant 0 : i32
      %dma_wait3A_72 = tpu.memref_slice %arg2[%add3A_20, %dma_wait3A_71] : memref<8192x1024xf32, #tpu.memory_space<hbm>> -> memref<64x1024xf32, #tpu.memory_space<hbm>>
      %dma_wait3A_73 = arith.constant 0 : i32
      %dma_wait3A_74 = tpu.memref_slice %arg2[%add3A_20, %dma_wait3A_73] : memref<8192x1024xf32, #tpu.memory_space<hbm>> -> memref<64x1024xf32, #tpu.memory_space<hbm>>
      tpu.wait_dma2 semaphore(%run_scoped3A : memref<!tpu.dma_semaphore, #tpu.memory_space<semaphore_mem>>) src(%dma_wait3A_74 : memref<64x1024xf32, #tpu.memory_space<hbm>>) dst(%arg6 : memref<64x1024xf32, #tpu.memory_space<vmem>>)
      tpu.yield
    }) : () -> ()
    %dma_start3A_21 = arith.constant 1 : i32
    %dma_start3A_22 = arith.constant 0 : i32
    %dma_start3A_23 = tpu.memref_slice %arg5[%dma_start3A_21, %dma_start3A_22] : memref<4x64xi32, #tpu.memory_space<vmem>> -> memref<1x64xi32, #tpu.memory_space<vmem>>
    %dma_start3A_24 = tpu.memref_squeeze %dma_start3A_23 : memref<1x64xi32, #tpu.memory_space<vmem>> -> memref<64xi32, #tpu.memory_space<vmem>>
    %dma_start3A_25 = arith.constant 0 : i32
    %dma_start3A_26 = arith.constant 0 : i32
    %dma_start3A_27 = tpu.memref_slice %arg4[%dma_start3A_25, %dma_start3A_26] : memref<10240x1024xf32, #tpu.memory_space<hbm>> -> memref<10240x1024xf32, #tpu.memory_space<hbm>>
    tpu.enqueue_indirect_dma source(%arg6 : memref<64x1024xf32, #tpu.memory_space<vmem>>) target(%dma_start3A_27 : memref<10240x1024xf32, #tpu.memory_space<hbm>>) offsets(%dma_start3A_24 : memref<64xi32, #tpu.memory_space<vmem>>) semaphore(%arg7 : memref<!tpu.dma_semaphore, #tpu.memory_space<semaphore_mem>>)
    %dma_wait3A_28 = arith.constant 1 : i32
    %dma_wait3A_29 = arith.constant 0 : i32
    %dma_wait3A_30 = tpu.memref_slice %arg5[%dma_wait3A_28, %dma_wait3A_29] : memref<4x64xi32, #tpu.memory_space<vmem>> -> memref<1x64xi32, #tpu.memory_space<vmem>>
    %dma_wait3A_31 = tpu.memref_squeeze %dma_wait3A_30 : memref<1x64xi32, #tpu.memory_space<vmem>> -> memref<64xi32, #tpu.memory_space<vmem>>
    %dma_wait3A_32 = arith.constant 0 : i32
    %dma_wait3A_33 = arith.constant 0 : i32
    %dma_wait3A_34 = tpu.memref_slice %arg4[%dma_wait3A_32, %dma_wait3A_33] : memref<10240x1024xf32, #tpu.memory_space<hbm>> -> memref<10240x1024xf32, #tpu.memory_space<hbm>>
    tpu.wait_indirect_dma semaphore(%arg7 : memref<!tpu.dma_semaphore, #tpu.memory_space<semaphore_mem>>) src(%arg6 : memref<64x1024xf32, #tpu.memory_space<vmem>>) dst(%dma_wait3A_34 : memref<10240x1024xf32, #tpu.memory_space<hbm>>)
    %add3A_35 = arith.constant 128 : i32
    %add3A_36 = arith.addi %mul3A_2, %add3A_35 : i32
    "tpu.region"() ({
      %run_scoped3A = tpu.sem_alloc : memref<!tpu.dma_semaphore, #tpu.memory_space<semaphore_mem>>
      %dma_start3A_67 = arith.constant 0 : i32
      %dma_start3A_68 = tpu.memref_slice %arg2[%add3A_36, %dma_start3A_67] : memref<8192x1024xf32, #tpu.memory_space<hbm>> -> memref<64x1024xf32, #tpu.memory_space<hbm>>
      %dma_start3A_69 = arith.constant 0 : i32
      %dma_start3A_70 = tpu.memref_slice %arg2[%add3A_36, %dma_start3A_69] : memref<8192x1024xf32, #tpu.memory_space<hbm>> -> memref<64x1024xf32, #tpu.memory_space<hbm>>
      tpu.enqueue_dma source(%dma_start3A_70 : memref<64x1024xf32, #tpu.memory_space<hbm>>) target(%arg6 : memref<64x1024xf32, #tpu.memory_space<vmem>>) target_semaphore(%run_scoped3A : memref<!tpu.dma_semaphore, #tpu.memory_space<semaphore_mem>>)
      %dma_wait3A_71 = arith.constant 0 : i32
      %dma_wait3A_72 = tpu.memref_slice %arg2[%add3A_36, %dma_wait3A_71] : memref<8192x1024xf32, #tpu.memory_space<hbm>> -> memref<64x1024xf32, #tpu.memory_space<hbm>>
      %dma_wait3A_73 = arith.constant 0 : i32
      %dma_wait3A_74 = tpu.memref_slice %arg2[%add3A_36, %dma_wait3A_73] : memref<8192x1024xf32, #tpu.memory_space<hbm>> -> memref<64x1024xf32, #tpu.memory_space<hbm>>
      tpu.wait_dma2 semaphore(%run_scoped3A : memref<!tpu.dma_semaphore, #tpu.memory_space<semaphore_mem>>) src(%dma_wait3A_74 : memref<64x1024xf32, #tpu.memory_space<hbm>>) dst(%arg6 : memref<64x1024xf32, #tpu.memory_space<vmem>>)
      tpu.yield
    }) : () -> ()
    %dma_start3A_37 = arith.constant 2 : i32
    %dma_start3A_38 = arith.constant 0 : i32
    %dma_start3A_39 = tpu.memref_slice %arg5[%dma_start3A_37, %dma_start3A_38] : memref<4x64xi32, #tpu.memory_space<vmem>> -> memref<1x64xi32, #tpu.memory_space<vmem>>
    %dma_start3A_40 = tpu.memref_squeeze %dma_start3A_39 : memref<1x64xi32, #tpu.memory_space<vmem>> -> memref<64xi32, #tpu.memory_space<vmem>>
    %dma_start3A_41 = arith.constant 0 : i32
    %dma_start3A_42 = arith.constant 0 : i32
    %dma_start3A_43 = tpu.memref_slice %arg4[%dma_start3A_41, %dma_start3A_42] : memref<10240x1024xf32, #tpu.memory_space<hbm>> -> memref<10240x1024xf32, #tpu.memory_space<hbm>>
    tpu.enqueue_indirect_dma source(%arg6 : memref<64x1024xf32, #tpu.memory_space<vmem>>) target(%dma_start3A_43 : memref<10240x1024xf32, #tpu.memory_space<hbm>>) offsets(%dma_start3A_40 : memref<64xi32, #tpu.memory_space<vmem>>) semaphore(%arg7 : memref<!tpu.dma_semaphore, #tpu.memory_space<semaphore_mem>>)
    %dma_wait3A_44 = arith.constant 2 : i32
    %dma_wait3A_45 = arith.constant 0 : i32
    %dma_wait3A_46 = tpu.memref_slice %arg5[%dma_wait3A_44, %dma_wait3A_45] : memref<4x64xi32, #tpu.memory_space<vmem>> -> memref<1x64xi32, #tpu.memory_space<vmem>>
    %dma_wait3A_47 = tpu.memref_squeeze %dma_wait3A_46 : memref<1x64xi32, #tpu.memory_space<vmem>> -> memref<64xi32, #tpu.memory_space<vmem>>
    %dma_wait3A_48 = arith.constant 0 : i32
    %dma_wait3A_49 = arith.constant 0 : i32
    %dma_wait3A_50 = tpu.memref_slice %arg4[%dma_wait3A_48, %dma_wait3A_49] : memref<10240x1024xf32, #tpu.memory_space<hbm>> -> memref<10240x1024xf32, #tpu.memory_space<hbm>>
    tpu.wait_indirect_dma semaphore(%arg7 : memref<!tpu.dma_semaphore, #tpu.memory_space<semaphore_mem>>) src(%arg6 : memref<64x1024xf32, #tpu.memory_space<vmem>>) dst(%dma_wait3A_50 : memref<10240x1024xf32, #tpu.memory_space<hbm>>)
    %add3A_51 = arith.constant 192 : i32
    %add3A_52 = arith.addi %mul3A_2, %add3A_51 : i32
    "tpu.region"() ({
      %run_scoped3A = tpu.sem_alloc : memref<!tpu.dma_semaphore, #tpu.memory_space<semaphore_mem>>
      %dma_start3A_67 = arith.constant 0 : i32
      %dma_start3A_68 = tpu.memref_slice %arg2[%add3A_52, %dma_start3A_67] : memref<8192x1024xf32, #tpu.memory_space<hbm>> -> memref<64x1024xf32, #tpu.memory_space<hbm>>
      %dma_start3A_69 = arith.constant 0 : i32
      %dma_start3A_70 = tpu.memref_slice %arg2[%add3A_52, %dma_start3A_69] : memref<8192x1024xf32, #tpu.memory_space<hbm>> -> memref<64x1024xf32, #tpu.memory_space<hbm>>
      tpu.enqueue_dma source(%dma_start3A_70 : memref<64x1024xf32, #tpu.memory_space<hbm>>) target(%arg6 : memref<64x1024xf32, #tpu.memory_space<vmem>>) target_semaphore(%run_scoped3A : memref<!tpu.dma_semaphore, #tpu.memory_space<semaphore_mem>>)
      %dma_wait3A_71 = arith.constant 0 : i32
      %dma_wait3A_72 = tpu.memref_slice %arg2[%add3A_52, %dma_wait3A_71] : memref<8192x1024xf32, #tpu.memory_space<hbm>> -> memref<64x1024xf32, #tpu.memory_space<hbm>>
      %dma_wait3A_73 = arith.constant 0 : i32
      %dma_wait3A_74 = tpu.memref_slice %arg2[%add3A_52, %dma_wait3A_73] : memref<8192x1024xf32, #tpu.memory_space<hbm>> -> memref<64x1024xf32, #tpu.memory_space<hbm>>
      tpu.wait_dma2 semaphore(%run_scoped3A : memref<!tpu.dma_semaphore, #tpu.memory_space<semaphore_mem>>) src(%dma_wait3A_74 : memref<64x1024xf32, #tpu.memory_space<hbm>>) dst(%arg6 : memref<64x1024xf32, #tpu.memory_space<vmem>>)
      tpu.yield
    }) : () -> ()
    %dma_start3A_53 = arith.constant 3 : i32
    %dma_start3A_54 = arith.constant 0 : i32
    %dma_start3A_55 = tpu.memref_slice %arg5[%dma_start3A_53, %dma_start3A_54] : memref<4x64xi32, #tpu.memory_space<vmem>> -> memref<1x64xi32, #tpu.memory_space<vmem>>
    %dma_start3A_56 = tpu.memref_squeeze %dma_start3A_55 : memref<1x64xi32, #tpu.memory_space<vmem>> -> memref<64xi32, #tpu.memory_space<vmem>>
    %dma_start3A_57 = arith.constant 0 : i32
    %dma_start3A_58 = arith.constant 0 : i32
    %dma_start3A_59 = tpu.memref_slice %arg4[%dma_start3A_57, %dma_start3A_58] : memref<10240x1024xf32, #tpu.memory_space<hbm>> -> memref<10240x1024xf32, #tpu.memory_space<hbm>>
    tpu.enqueue_indirect_dma source(%arg6 : memref<64x1024xf32, #tpu.memory_space<vmem>>) target(%dma_start3A_59 : memref<10240x1024xf32, #tpu.memory_space<hbm>>) offsets(%dma_start3A_56 : memref<64xi32, #tpu.memory_space<vmem>>) semaphore(%arg7 : memref<!tpu.dma_semaphore, #tpu.memory_space<semaphore_mem>>)
    %dma_wait3A_60 = arith.constant 3 : i32
    %dma_wait3A_61 = arith.constant 0 : i32
    %dma_wait3A_62 = tpu.memref_slice %arg5[%dma_wait3A_60, %dma_wait3A_61] : memref<4x64xi32, #tpu.memory_space<vmem>> -> memref<1x64xi32, #tpu.memory_space<vmem>>
    %dma_wait3A_63 = tpu.memref_squeeze %dma_wait3A_62 : memref<1x64xi32, #tpu.memory_space<vmem>> -> memref<64xi32, #tpu.memory_space<vmem>>
    %dma_wait3A_64 = arith.constant 0 : i32
    %dma_wait3A_65 = arith.constant 0 : i32
    %dma_wait3A_66 = tpu.memref_slice %arg4[%dma_wait3A_64, %dma_wait3A_65] : memref<10240x1024xf32, #tpu.memory_space<hbm>> -> memref<10240x1024xf32, #tpu.memory_space<hbm>>
    tpu.wait_indirect_dma semaphore(%arg7 : memref<!tpu.dma_semaphore, #tpu.memory_space<semaphore_mem>>) src(%arg6 : memref<64x1024xf32, #tpu.memory_space<vmem>>) dst(%dma_wait3A_66 : memref<10240x1024xf32, #tpu.memory_space<hbm>>)
    return
  }
}

module attributes {stable_mosaic.version = 14 : i64} {
  func.func @_router_kernel(%arg0: i32, %arg1: memref<1024x1024xf32, #tpu.memory_space<vmem>>, %arg2: memref<1024x2048xf32, #tpu.memory_space<vmem>>, %arg3: memref<1x2048xf32, #tpu.memory_space<vmem>>, %arg4: memref<2048x8xf32, #tpu.memory_space<vmem>>, %arg5: memref<1x8xf32, #tpu.memory_space<vmem>>, %arg6: memref<8x1024xf32, #tpu.memory_space<vmem>>) attributes {dimension_semantics = [#tpu.dimension_semantics<arbitrary>], iteration_bounds = array<i64: 8>, scalar_prefetch = 0 : i64, scratch_operands = 0 : i64, tpu.core_type = #tpu.core_type<tc>, window_params = [{transform_indices = @transform_0, window_bounds = array<i64: 1024, 1024>}, {pipeline_mode = #tpu.pipeline_mode<synchronous>, transform_indices = @transform_1, window_bounds = array<i64: 1024, 2048>}, {pipeline_mode = #tpu.pipeline_mode<synchronous>, transform_indices = @transform_2, window_bounds = array<i64: 1, 2048>}, {pipeline_mode = #tpu.pipeline_mode<synchronous>, transform_indices = @transform_3, window_bounds = array<i64: 2048, 8>}, {pipeline_mode = #tpu.pipeline_mode<synchronous>, transform_indices = @transform_4, window_bounds = array<i64: 1, 8>}, {transform_indices = @transform_5, window_bounds = array<i64: 8, 1024>}]} {
    %get3A = arith.constant 0 : index
    %get3A_0 = arith.constant 0 : index
    %get3A_1 = vector.load %arg1[%get3A, %get3A_0] : memref<1024x1024xf32, #tpu.memory_space<vmem>>, vector<1024x1024xf32>
    %get3A_2 = arith.constant 0 : index
    %get3A_3 = arith.constant 0 : index
    %get3A_4 = vector.load %arg2[%get3A_2, %get3A_3] : memref<1024x2048xf32, #tpu.memory_space<vmem>>, vector<1024x2048xf32>
    %dot_general3A = arith.constant dense<0.000000e+00> : vector<1024x2048xf32>
    %dot_general3A_5 = tpu.matmul %get3A_1, %get3A_4, %dot_general3A {dimension_numbers = #tpu.dot_dimension_numbers<[1], [0], [0], [1], [0, 0, 1, 1], [], []>, transpose_lhs_hint = false} : vector<1024x1024xf32>, vector<1024x2048xf32>, vector<1024x2048xf32> -> vector<1024x2048xf32>
    %get3A_6 = arith.constant 0 : index
    %get3A_7 = arith.constant 0 : index
    %get3A_8 = vector.load %arg3[%get3A_6, %get3A_7] : memref<1x2048xf32, #tpu.memory_space<vmem>>, vector<1x2048xf32>
    %add3A = vector.broadcast %get3A_8 : vector<1x2048xf32> to vector<1024x2048xf32>
    %add3A_9 = arith.addf %dot_general3A_5, %add3A : vector<1024x2048xf32>
    %max3A = arith.constant 0.000000e+00 : f32
    %max3A_10 = vector.broadcast %max3A : f32 to vector<1024x2048xf32>
    %max3A_11 = arith.maximumf %add3A_9, %max3A_10 : vector<1024x2048xf32>
    %get3A_12 = arith.constant 0 : index
    %get3A_13 = arith.constant 0 : index
    %get3A_14 = vector.load %arg4[%get3A_12, %get3A_13] : memref<2048x8xf32, #tpu.memory_space<vmem>>, vector<2048x8xf32>
    %dot_general3A_15 = arith.constant dense<0.000000e+00> : vector<1024x8xf32>
    %dot_general3A_16 = tpu.matmul %max3A_11, %get3A_14, %dot_general3A_15 {dimension_numbers = #tpu.dot_dimension_numbers<[1], [0], [0], [1], [0, 0, 1, 1], [], []>, transpose_lhs_hint = false} : vector<1024x2048xf32>, vector<2048x8xf32>, vector<1024x8xf32> -> vector<1024x8xf32>
    %get3A_17 = arith.constant 0 : index
    %get3A_18 = arith.constant 0 : index
    %get3A_19 = vector.load %arg5[%get3A_17, %get3A_18] : memref<1x8xf32, #tpu.memory_space<vmem>>, vector<1x8xf32>
    %add3A_20 = vector.broadcast %get3A_19 : vector<1x8xf32> to vector<1024x8xf32>
    %add3A_21 = arith.addf %dot_general3A_16, %add3A_20 : vector<1024x8xf32>
    %transpose3A = tpu.transpose %add3A_21, [1, 0] : vector<1024x8xf32> -> vector<8x1024xf32>
    %swap3A = arith.constant 0 : index
    %swap3A_22 = arith.constant 0 : index
    %swap3A_23 = vector.load %arg6[%swap3A, %swap3A_22] : memref<8x1024xf32, #tpu.memory_space<vmem>>, vector<8x1024xf32>
    tpu.vector_store %arg6[%swap3A, %swap3A_22], %transpose3A {strides = array<i32>} : memref<8x1024xf32, #tpu.memory_space<vmem>>, vector<8x1024xf32>,
    return
  }
  func.func @transform_0(%arg0: i32) -> (i32, i32) {
    %c0_i32 = arith.constant 0 : i32
    %c0_i32_0 = arith.constant 0 : i32
    return %arg0, %c0_i32 : i32, i32
  }
  func.func @transform_1(%arg0: i32) -> (i32, i32) {
    %c0_i32 = arith.constant 0 : i32
    %c0_i32_0 = arith.constant 0 : i32
    %c0_i32_1 = arith.constant 0 : i32
    return %c0_i32, %c0_i32_0 : i32, i32
  }
  func.func @transform_2(%arg0: i32) -> (i32, i32) {
    %c0_i32 = arith.constant 0 : i32
    %c0_i32_0 = arith.constant 0 : i32
    %c0_i32_1 = arith.constant 0 : i32
    return %c0_i32, %c0_i32_0 : i32, i32
  }
  func.func @transform_3(%arg0: i32) -> (i32, i32) {
    %c0_i32 = arith.constant 0 : i32
    %c0_i32_0 = arith.constant 0 : i32
    %c0_i32_1 = arith.constant 0 : i32
    return %c0_i32, %c0_i32_0 : i32, i32
  }
  func.func @transform_4(%arg0: i32) -> (i32, i32) {
    %c0_i32 = arith.constant 0 : i32
    %c0_i32_0 = arith.constant 0 : i32
    %c0_i32_1 = arith.constant 0 : i32
    return %c0_i32, %c0_i32_0 : i32, i32
  }
  func.func @transform_5(%arg0: i32) -> (i32, i32) {
    %c0_i32 = arith.constant 0 : i32
    %c0_i32_0 = arith.constant 0 : i32
    return %c0_i32, %arg0 : i32, i32
  }
}

module attributes {stable_mosaic.version = 14 : i64} {
  func.func @_dispatch_kernel(%arg0: i32, %arg1: memref<8x64x128xf32, #tpu.memory_space<vmem>>, %arg2: memref<64x128xi32, #tpu.memory_space<vmem>>, %arg3: memref<1x40xi32, #tpu.memory_space<vmem>>) attributes {dimension_semantics = [#tpu.dimension_semantics<arbitrary>], iteration_bounds = array<i64: 1>, scalar_prefetch = 0 : i64, scratch_operands = 0 : i64, tpu.core_type = #tpu.core_type<tc>, window_params = [{pipeline_mode = #tpu.pipeline_mode<synchronous>, transform_indices = @transform_0, window_bounds = array<i64: 8, 64, 128>}, {pipeline_mode = #tpu.pipeline_mode<synchronous>, transform_indices = @transform_1, window_bounds = array<i64: 64, 128>}, {pipeline_mode = #tpu.pipeline_mode<synchronous>, transform_indices = @transform_2, window_bounds = array<i64: 1, 40>}]} {
    %get3A = arith.constant 0 : index
    %get3A_0 = arith.constant 0 : index
    %get3A_1 = arith.constant 0 : index
    %get3A_2 = vector.load %arg1[%get3A, %get3A_0, %get3A_1] : memref<8x64x128xf32, #tpu.memory_space<vmem>>, vector<1x64x128xf32>
    %get3A_3 = vector.shape_cast %get3A_2 : vector<1x64x128xf32> to vector<64x128xf32>
    %get3A_4 = arith.constant 1 : index
    %get3A_5 = arith.constant 0 : index
    %get3A_6 = arith.constant 0 : index
    %get3A_7 = vector.load %arg1[%get3A_4, %get3A_5, %get3A_6] : memref<8x64x128xf32, #tpu.memory_space<vmem>>, vector<1x64x128xf32>
    %get3A_8 = vector.shape_cast %get3A_7 : vector<1x64x128xf32> to vector<64x128xf32>
    %get3A_9 = arith.constant 2 : index
    %get3A_10 = arith.constant 0 : index
    %get3A_11 = arith.constant 0 : index
    %get3A_12 = vector.load %arg1[%get3A_9, %get3A_10, %get3A_11] : memref<8x64x128xf32, #tpu.memory_space<vmem>>, vector<1x64x128xf32>
    %get3A_13 = vector.shape_cast %get3A_12 : vector<1x64x128xf32> to vector<64x128xf32>
    %get3A_14 = arith.constant 3 : index
    %get3A_15 = arith.constant 0 : index
    %get3A_16 = arith.constant 0 : index
    %get3A_17 = vector.load %arg1[%get3A_14, %get3A_15, %get3A_16] : memref<8x64x128xf32, #tpu.memory_space<vmem>>, vector<1x64x128xf32>
    %get3A_18 = vector.shape_cast %get3A_17 : vector<1x64x128xf32> to vector<64x128xf32>
    %get3A_19 = arith.constant 4 : index
    %get3A_20 = arith.constant 0 : index
    %get3A_21 = arith.constant 0 : index
    %get3A_22 = vector.load %arg1[%get3A_19, %get3A_20, %get3A_21] : memref<8x64x128xf32, #tpu.memory_space<vmem>>, vector<1x64x128xf32>
    %get3A_23 = vector.shape_cast %get3A_22 : vector<1x64x128xf32> to vector<64x128xf32>
    %get3A_24 = arith.constant 5 : index
    %get3A_25 = arith.constant 0 : index
    %get3A_26 = arith.constant 0 : index
    %get3A_27 = vector.load %arg1[%get3A_24, %get3A_25, %get3A_26] : memref<8x64x128xf32, #tpu.memory_space<vmem>>, vector<1x64x128xf32>
    %get3A_28 = vector.shape_cast %get3A_27 : vector<1x64x128xf32> to vector<64x128xf32>
    %get3A_29 = arith.constant 6 : index
    %get3A_30 = arith.constant 0 : index
    %get3A_31 = arith.constant 0 : index
    %get3A_32 = vector.load %arg1[%get3A_29, %get3A_30, %get3A_31] : memref<8x64x128xf32, #tpu.memory_space<vmem>>, vector<1x64x128xf32>
    %get3A_33 = vector.shape_cast %get3A_32 : vector<1x64x128xf32> to vector<64x128xf32>
    %get3A_34 = arith.constant 7 : index
    %get3A_35 = arith.constant 0 : index
    %get3A_36 = arith.constant 0 : index
    %get3A_37 = vector.load %arg1[%get3A_34, %get3A_35, %get3A_36] : memref<8x64x128xf32, #tpu.memory_space<vmem>>, vector<1x64x128xf32>
    %get3A_38 = vector.shape_cast %get3A_37 : vector<1x64x128xf32> to vector<64x128xf32>
    %max3A = arith.maximumf %get3A_3, %get3A_8 : vector<64x128xf32>
    %max3A_39 = arith.maximumf %max3A, %get3A_13 : vector<64x128xf32>
    %max3A_40 = arith.maximumf %max3A_39, %get3A_18 : vector<64x128xf32>
    %max3A_41 = arith.maximumf %max3A_40, %get3A_23 : vector<64x128xf32>
    %max3A_42 = arith.maximumf %max3A_41, %get3A_28 : vector<64x128xf32>
    %max3A_43 = arith.maximumf %max3A_42, %get3A_33 : vector<64x128xf32>
    %max3A_44 = arith.maximumf %max3A_43, %get3A_38 : vector<64x128xf32>
    %broadcast_in_dim3A = arith.constant 7 : i32
    %broadcast_in_dim3A_45 = vector.broadcast %broadcast_in_dim3A : i32 to vector<64x128xi32>
    %eq3A = arith.cmpf oeq, %get3A_33, %max3A_44 : vector<64x128xf32>
    %jit3A = arith.constant 6 : i32
    %broadcast_in_dim3A_46 = vector.broadcast %jit3A : i32 to vector<64x128xi32>
    %select_n3A = arith.select %eq3A, %broadcast_in_dim3A_46, %broadcast_in_dim3A_45 : vector<64x128xi1>, vector<64x128xi32>
    %eq3A_47 = arith.cmpf oeq, %get3A_28, %max3A_44 : vector<64x128xf32>
    %jit3A_48 = arith.constant 5 : i32
    %broadcast_in_dim3A_49 = vector.broadcast %jit3A_48 : i32 to vector<64x128xi32>
    %select_n3A_50 = arith.select %eq3A_47, %broadcast_in_dim3A_49, %select_n3A : vector<64x128xi1>, vector<64x128xi32>
    %eq3A_51 = arith.cmpf oeq, %get3A_23, %max3A_44 : vector<64x128xf32>
    %jit3A_52 = arith.constant 4 : i32
    %broadcast_in_dim3A_53 = vector.broadcast %jit3A_52 : i32 to vector<64x128xi32>
    %select_n3A_54 = arith.select %eq3A_51, %broadcast_in_dim3A_53, %select_n3A_50 : vector<64x128xi1>, vector<64x128xi32>
    %eq3A_55 = arith.cmpf oeq, %get3A_18, %max3A_44 : vector<64x128xf32>
    %jit3A_56 = arith.constant 3 : i32
    %broadcast_in_dim3A_57 = vector.broadcast %jit3A_56 : i32 to vector<64x128xi32>
    %select_n3A_58 = arith.select %eq3A_55, %broadcast_in_dim3A_57, %select_n3A_54 : vector<64x128xi1>, vector<64x128xi32>
    %eq3A_59 = arith.cmpf oeq, %get3A_13, %max3A_44 : vector<64x128xf32>
    %jit3A_60 = arith.constant 2 : i32
    %broadcast_in_dim3A_61 = vector.broadcast %jit3A_60 : i32 to vector<64x128xi32>
    %select_n3A_62 = arith.select %eq3A_59, %broadcast_in_dim3A_61, %select_n3A_58 : vector<64x128xi1>, vector<64x128xi32>
    %eq3A_63 = arith.cmpf oeq, %get3A_8, %max3A_44 : vector<64x128xf32>
    %jit3A_64 = arith.constant 1 : i32
    %broadcast_in_dim3A_65 = vector.broadcast %jit3A_64 : i32 to vector<64x128xi32>
    %select_n3A_66 = arith.select %eq3A_63, %broadcast_in_dim3A_65, %select_n3A_62 : vector<64x128xi1>, vector<64x128xi32>
    %eq3A_67 = arith.cmpf oeq, %get3A_3, %max3A_44 : vector<64x128xf32>
    %jit3A_68 = arith.constant 0 : i32
    %broadcast_in_dim3A_69 = vector.broadcast %jit3A_68 : i32 to vector<64x128xi32>
    %select_n3A_70 = arith.select %eq3A_67, %broadcast_in_dim3A_69, %select_n3A_66 : vector<64x128xi1>, vector<64x128xi32>
    %iota3A = tpu.iota {dimensions = array<i32: 0>} : vector<128x128xi32>
    %iota3A_71 = tpu.iota {dimensions = array<i32: 1>} : vector<128x128xi32>
    %lt3A = arith.cmpi slt, %iota3A, %iota3A_71 : vector<128x128xi32>
    %convert_element_type3A = arith.extui %lt3A : vector<128x128xi1> to vector<128x128xi32>
    %convert_element_type3A_72 = arith.sitofp %convert_element_type3A : vector<128x128xi32> to vector<128x128xf32>
    %iota3A_73 = tpu.iota {dimensions = array<i32: 0>} : vector<64x64xi32>
    %iota3A_74 = tpu.iota {dimensions = array<i32: 1>} : vector<64x64xi32>
    %lt3A_75 = arith.cmpi slt, %iota3A_74, %iota3A_73 : vector<64x64xi32>
    %convert_element_type3A_76 = arith.extui %lt3A_75 : vector<64x64xi1> to vector<64x64xi32>
    %convert_element_type3A_77 = arith.sitofp %convert_element_type3A_76 : vector<64x64xi32> to vector<64x64xf32>
    %broadcast_in_dim3A_78 = arith.constant 0.000000e+00 : f32
    %broadcast_in_dim3A_79 = vector.broadcast %broadcast_in_dim3A_78 : f32 to vector<64x128xf32>
    %broadcast_in_dim3A_80 = arith.constant 0.000000e+00 : f32
    %broadcast_in_dim3A_81 = vector.broadcast %broadcast_in_dim3A_80 : f32 to vector<1x1xf32>
    %eq3A_82 = arith.constant 0 : i32
    %eq3A_83 = vector.broadcast %eq3A_82 : i32 to vector<64x128xi32>
    %eq3A_84 = arith.cmpi eq, %select_n3A_70, %eq3A_83 : vector<64x128xi32>
    %convert_element_type3A_85 = arith.extui %eq3A_84 : vector<64x128xi1> to vector<64x128xi32>
    %convert_element_type3A_86 = arith.sitofp %convert_element_type3A_85 : vector<64x128xi32> to vector<64x128xf32>
    %dot_general3A = arith.constant dense<0.000000e+00> : vector<64x128xf32>
    %dot_general3A_87 = tpu.matmul %convert_element_type3A_86, %convert_element_type3A_72, %dot_general3A {dimension_numbers = #tpu.dot_dimension_numbers<[1], [0], [0], [1], [0, 0, 1, 1], [], []>, transpose_lhs_hint = false} : vector<64x128xf32>, vector<128x128xf32>, vector<64x128xf32> -> vector<64x128xf32>
    %reduce_sum3A = arith.constant dense<0.000000e+00> : vector<64xf32>
    %reduce_sum3A_88 = vector.multi_reduction <add>, %convert_element_type3A_86, %reduce_sum3A [1] : vector<64x128xf32> to vector<64xf32>
    %broadcast_in_dim3A_89 = vector.shape_cast %reduce_sum3A_88 : vector<64xf32> to vector<64x1xf32>
    %dot_general3A_90 = arith.constant dense<0.000000e+00> : vector<64x1xf32>
    %dot_general3A_91 = tpu.matmul %convert_element_type3A_77, %broadcast_in_dim3A_89, %dot_general3A_90 {dimension_numbers = #tpu.dot_dimension_numbers<[1], [0], [0], [1], [0, 0, 1, 1], [], []>, transpose_lhs_hint = false} : vector<64x64xf32>, vector<64x1xf32>, vector<64x1xf32> -> vector<64x1xf32>
    %add3A = vector.broadcast %dot_general3A_91 : vector<64x1xf32> to vector<64x128xf32>
    %add3A_92 = arith.addf %dot_general3A_87, %add3A : vector<64x128xf32>
    %reduce_sum3A_93 = vector.shape_cast %broadcast_in_dim3A_89 : vector<64x1xf32> to vector<1x64x1xf32>
    %reduce_sum3A_94 = arith.constant dense<0.000000e+00> : vector<1xf32>
    %reduce_sum3A_95 = vector.multi_reduction <add>, %reduce_sum3A_93, %reduce_sum3A_94 [1, 2] : vector<1x64x1xf32> to vector<1xf32>
    %reduce_sum3A_96 = vector.shape_cast %reduce_sum3A_95 : vector<1xf32> to vector<1x1x1xf32>
    %reduce_sum3A_97 = vector.extract %reduce_sum3A_96[0, 0, 0] : f32 from vector<1x1x1xf32>
    %reshape3A = vector.broadcast %reduce_sum3A_97 : f32 to vector<1x1xf32>
    %add3A_98 = arith.constant 2.550000e+02 : f32
    %add3A_99 = vector.broadcast %add3A_98 : f32 to vector<1x1xf32>
    %add3A_100 = arith.addf %reshape3A, %add3A_99 : vector<1x1xf32>
    %mul3A = arith.constant 3.906250e-03 : f32
    %mul3A_101 = vector.broadcast %mul3A : f32 to vector<1x1xf32>
    %mul3A_102 = arith.mulf %add3A_100, %mul3A_101 : vector<1x1xf32>
    %floor3A = math.floor %mul3A_102 : vector<1x1xf32>
    %mul3A_103 = arith.constant 2.560000e+02 : f32
    %mul3A_104 = vector.broadcast %mul3A_103 : f32 to vector<1x1xf32>
    %mul3A_105 = arith.mulf %broadcast_in_dim3A_81, %mul3A_104 : vector<1x1xf32>
    %add3A_106 = vector.broadcast %mul3A_105 : vector<1x1xf32> to vector<64x128xf32>
    %add3A_107 = arith.addf %add3A_106, %add3A_92 : vector<64x128xf32>
    %mul3A_108 = arith.mulf %convert_element_type3A_86, %add3A_107 : vector<64x128xf32>
    %add3A_109 = arith.addf %broadcast_in_dim3A_79, %mul3A_108 : vector<64x128xf32>
    %add3A_110 = arith.addf %broadcast_in_dim3A_81, %floor3A : vector<1x1xf32>
    %eq3A_111 = arith.constant 1 : i32
    %eq3A_112 = vector.broadcast %eq3A_111 : i32 to vector<64x128xi32>
    %eq3A_113 = arith.cmpi eq, %select_n3A_70, %eq3A_112 : vector<64x128xi32>
    %convert_element_type3A_114 = arith.extui %eq3A_113 : vector<64x128xi1> to vector<64x128xi32>
    %convert_element_type3A_115 = arith.sitofp %convert_element_type3A_114 : vector<64x128xi32> to vector<64x128xf32>
    %dot_general3A_116 = arith.constant dense<0.000000e+00> : vector<64x128xf32>
    %dot_general3A_117 = tpu.matmul %convert_element_type3A_115, %convert_element_type3A_72, %dot_general3A_116 {dimension_numbers = #tpu.dot_dimension_numbers<[1], [0], [0], [1], [0, 0, 1, 1], [], []>, transpose_lhs_hint = false} : vector<64x128xf32>, vector<128x128xf32>, vector<64x128xf32> -> vector<64x128xf32>
    %reduce_sum3A_118 = arith.constant dense<0.000000e+00> : vector<64xf32>
    %reduce_sum3A_119 = vector.multi_reduction <add>, %convert_element_type3A_115, %reduce_sum3A_118 [1] : vector<64x128xf32> to vector<64xf32>
    %broadcast_in_dim3A_120 = vector.shape_cast %reduce_sum3A_119 : vector<64xf32> to vector<64x1xf32>
    %dot_general3A_121 = arith.constant dense<0.000000e+00> : vector<64x1xf32>
    %dot_general3A_122 = tpu.matmul %convert_element_type3A_77, %broadcast_in_dim3A_120, %dot_general3A_121 {dimension_numbers = #tpu.dot_dimension_numbers<[1], [0], [0], [1], [0, 0, 1, 1], [], []>, transpose_lhs_hint = false} : vector<64x64xf32>, vector<64x1xf32>, vector<64x1xf32> -> vector<64x1xf32>
    %add3A_123 = vector.broadcast %dot_general3A_122 : vector<64x1xf32> to vector<64x128xf32>
    %add3A_124 = arith.addf %dot_general3A_117, %add3A_123 : vector<64x128xf32>
    %reduce_sum3A_125 = vector.shape_cast %broadcast_in_dim3A_120 : vector<64x1xf32> to vector<1x64x1xf32>
    %reduce_sum3A_126 = arith.constant dense<0.000000e+00> : vector<1xf32>
    %reduce_sum3A_127 = vector.multi_reduction <add>, %reduce_sum3A_125, %reduce_sum3A_126 [1, 2] : vector<1x64x1xf32> to vector<1xf32>
    %reduce_sum3A_128 = vector.shape_cast %reduce_sum3A_127 : vector<1xf32> to vector<1x1x1xf32>
    %reduce_sum3A_129 = vector.extract %reduce_sum3A_128[0, 0, 0] : f32 from vector<1x1x1xf32>
    %reshape3A_130 = vector.broadcast %reduce_sum3A_129 : f32 to vector<1x1xf32>
    %add3A_131 = arith.constant 2.550000e+02 : f32
    %add3A_132 = vector.broadcast %add3A_131 : f32 to vector<1x1xf32>
    %add3A_133 = arith.addf %reshape3A_130, %add3A_132 : vector<1x1xf32>
    %mul3A_134 = arith.constant 3.906250e-03 : f32
    %mul3A_135 = vector.broadcast %mul3A_134 : f32 to vector<1x1xf32>
    %mul3A_136 = arith.mulf %add3A_133, %mul3A_135 : vector<1x1xf32>
    %floor3A_137 = math.floor %mul3A_136 : vector<1x1xf32>
    %mul3A_138 = arith.constant 2.560000e+02 : f32
    %mul3A_139 = vector.broadcast %mul3A_138 : f32 to vector<1x1xf32>
    %mul3A_140 = arith.mulf %add3A_110, %mul3A_139 : vector<1x1xf32>
    %add3A_141 = vector.broadcast %mul3A_140 : vector<1x1xf32> to vector<64x128xf32>
    %add3A_142 = arith.addf %add3A_141, %add3A_124 : vector<64x128xf32>
    %mul3A_143 = arith.mulf %convert_element_type3A_115, %add3A_142 : vector<64x128xf32>
    %add3A_144 = arith.addf %add3A_109, %mul3A_143 : vector<64x128xf32>
    %add3A_145 = arith.addf %add3A_110, %floor3A_137 : vector<1x1xf32>
    %eq3A_146 = arith.constant 2 : i32
    %eq3A_147 = vector.broadcast %eq3A_146 : i32 to vector<64x128xi32>
    %eq3A_148 = arith.cmpi eq, %select_n3A_70, %eq3A_147 : vector<64x128xi32>
    %convert_element_type3A_149 = arith.extui %eq3A_148 : vector<64x128xi1> to vector<64x128xi32>
    %convert_element_type3A_150 = arith.sitofp %convert_element_type3A_149 : vector<64x128xi32> to vector<64x128xf32>
    %dot_general3A_151 = arith.constant dense<0.000000e+00> : vector<64x128xf32>
    %dot_general3A_152 = tpu.matmul %convert_element_type3A_150, %convert_element_type3A_72, %dot_general3A_151 {dimension_numbers = #tpu.dot_dimension_numbers<[1], [0], [0], [1], [0, 0, 1, 1], [], []>, transpose_lhs_hint = false} : vector<64x128xf32>, vector<128x128xf32>, vector<64x128xf32> -> vector<64x128xf32>
    %reduce_sum3A_153 = arith.constant dense<0.000000e+00> : vector<64xf32>
    %reduce_sum3A_154 = vector.multi_reduction <add>, %convert_element_type3A_150, %reduce_sum3A_153 [1] : vector<64x128xf32> to vector<64xf32>
    %broadcast_in_dim3A_155 = vector.shape_cast %reduce_sum3A_154 : vector<64xf32> to vector<64x1xf32>
    %dot_general3A_156 = arith.constant dense<0.000000e+00> : vector<64x1xf32>
    %dot_general3A_157 = tpu.matmul %convert_element_type3A_77, %broadcast_in_dim3A_155, %dot_general3A_156 {dimension_numbers = #tpu.dot_dimension_numbers<[1], [0], [0], [1], [0, 0, 1, 1], [], []>, transpose_lhs_hint = false} : vector<64x64xf32>, vector<64x1xf32>, vector<64x1xf32> -> vector<64x1xf32>
    %add3A_158 = vector.broadcast %dot_general3A_157 : vector<64x1xf32> to vector<64x128xf32>
    %add3A_159 = arith.addf %dot_general3A_152, %add3A_158 : vector<64x128xf32>
    %reduce_sum3A_160 = vector.shape_cast %broadcast_in_dim3A_155 : vector<64x1xf32> to vector<1x64x1xf32>
    %reduce_sum3A_161 = arith.constant dense<0.000000e+00> : vector<1xf32>
    %reduce_sum3A_162 = vector.multi_reduction <add>, %reduce_sum3A_160, %reduce_sum3A_161 [1, 2] : vector<1x64x1xf32> to vector<1xf32>
    %reduce_sum3A_163 = vector.shape_cast %reduce_sum3A_162 : vector<1xf32> to vector<1x1x1xf32>
    %reduce_sum3A_164 = vector.extract %reduce_sum3A_163[0, 0, 0] : f32 from vector<1x1x1xf32>
    %reshape3A_165 = vector.broadcast %reduce_sum3A_164 : f32 to vector<1x1xf32>
    %add3A_166 = arith.constant 2.550000e+02 : f32
    %add3A_167 = vector.broadcast %add3A_166 : f32 to vector<1x1xf32>
    %add3A_168 = arith.addf %reshape3A_165, %add3A_167 : vector<1x1xf32>
    %mul3A_169 = arith.constant 3.906250e-03 : f32
    %mul3A_170 = vector.broadcast %mul3A_169 : f32 to vector<1x1xf32>
    %mul3A_171 = arith.mulf %add3A_168, %mul3A_170 : vector<1x1xf32>
    %floor3A_172 = math.floor %mul3A_171 : vector<1x1xf32>
    %mul3A_173 = arith.constant 2.560000e+02 : f32
    %mul3A_174 = vector.broadcast %mul3A_173 : f32 to vector<1x1xf32>
    %mul3A_175 = arith.mulf %add3A_145, %mul3A_174 : vector<1x1xf32>
    %add3A_176 = vector.broadcast %mul3A_175 : vector<1x1xf32> to vector<64x128xf32>
    %add3A_177 = arith.addf %add3A_176, %add3A_159 : vector<64x128xf32>
    %mul3A_178 = arith.mulf %convert_element_type3A_150, %add3A_177 : vector<64x128xf32>
    %add3A_179 = arith.addf %add3A_144, %mul3A_178 : vector<64x128xf32>
    %add3A_180 = arith.addf %add3A_145, %floor3A_172 : vector<1x1xf32>
    %eq3A_181 = arith.constant 3 : i32
    %eq3A_182 = vector.broadcast %eq3A_181 : i32 to vector<64x128xi32>
    %eq3A_183 = arith.cmpi eq, %select_n3A_70, %eq3A_182 : vector<64x128xi32>
    %convert_element_type3A_184 = arith.extui %eq3A_183 : vector<64x128xi1> to vector<64x128xi32>
    %convert_element_type3A_185 = arith.sitofp %convert_element_type3A_184 : vector<64x128xi32> to vector<64x128xf32>
    %dot_general3A_186 = arith.constant dense<0.000000e+00> : vector<64x128xf32>
    %dot_general3A_187 = tpu.matmul %convert_element_type3A_185, %convert_element_type3A_72, %dot_general3A_186 {dimension_numbers = #tpu.dot_dimension_numbers<[1], [0], [0], [1], [0, 0, 1, 1], [], []>, transpose_lhs_hint = false} : vector<64x128xf32>, vector<128x128xf32>, vector<64x128xf32> -> vector<64x128xf32>
    %reduce_sum3A_188 = arith.constant dense<0.000000e+00> : vector<64xf32>
    %reduce_sum3A_189 = vector.multi_reduction <add>, %convert_element_type3A_185, %reduce_sum3A_188 [1] : vector<64x128xf32> to vector<64xf32>
    %broadcast_in_dim3A_190 = vector.shape_cast %reduce_sum3A_189 : vector<64xf32> to vector<64x1xf32>
    %dot_general3A_191 = arith.constant dense<0.000000e+00> : vector<64x1xf32>
    %dot_general3A_192 = tpu.matmul %convert_element_type3A_77, %broadcast_in_dim3A_190, %dot_general3A_191 {dimension_numbers = #tpu.dot_dimension_numbers<[1], [0], [0], [1], [0, 0, 1, 1], [], []>, transpose_lhs_hint = false} : vector<64x64xf32>, vector<64x1xf32>, vector<64x1xf32> -> vector<64x1xf32>
    %add3A_193 = vector.broadcast %dot_general3A_192 : vector<64x1xf32> to vector<64x128xf32>
    %add3A_194 = arith.addf %dot_general3A_187, %add3A_193 : vector<64x128xf32>
    %reduce_sum3A_195 = vector.shape_cast %broadcast_in_dim3A_190 : vector<64x1xf32> to vector<1x64x1xf32>
    %reduce_sum3A_196 = arith.constant dense<0.000000e+00> : vector<1xf32>
    %reduce_sum3A_197 = vector.multi_reduction <add>, %reduce_sum3A_195, %reduce_sum3A_196 [1, 2] : vector<1x64x1xf32> to vector<1xf32>
    %reduce_sum3A_198 = vector.shape_cast %reduce_sum3A_197 : vector<1xf32> to vector<1x1x1xf32>
    %reduce_sum3A_199 = vector.extract %reduce_sum3A_198[0, 0, 0] : f32 from vector<1x1x1xf32>
    %reshape3A_200 = vector.broadcast %reduce_sum3A_199 : f32 to vector<1x1xf32>
    %add3A_201 = arith.constant 2.550000e+02 : f32
    %add3A_202 = vector.broadcast %add3A_201 : f32 to vector<1x1xf32>
    %add3A_203 = arith.addf %reshape3A_200, %add3A_202 : vector<1x1xf32>
    %mul3A_204 = arith.constant 3.906250e-03 : f32
    %mul3A_205 = vector.broadcast %mul3A_204 : f32 to vector<1x1xf32>
    %mul3A_206 = arith.mulf %add3A_203, %mul3A_205 : vector<1x1xf32>
    %floor3A_207 = math.floor %mul3A_206 : vector<1x1xf32>
    %mul3A_208 = arith.constant 2.560000e+02 : f32
    %mul3A_209 = vector.broadcast %mul3A_208 : f32 to vector<1x1xf32>
    %mul3A_210 = arith.mulf %add3A_180, %mul3A_209 : vector<1x1xf32>
    %add3A_211 = vector.broadcast %mul3A_210 : vector<1x1xf32> to vector<64x128xf32>
    %add3A_212 = arith.addf %add3A_211, %add3A_194 : vector<64x128xf32>
    %mul3A_213 = arith.mulf %convert_element_type3A_185, %add3A_212 : vector<64x128xf32>
    %add3A_214 = arith.addf %add3A_179, %mul3A_213 : vector<64x128xf32>
    %add3A_215 = arith.addf %add3A_180, %floor3A_207 : vector<1x1xf32>
    %eq3A_216 = arith.constant 4 : i32
    %eq3A_217 = vector.broadcast %eq3A_216 : i32 to vector<64x128xi32>
    %eq3A_218 = arith.cmpi eq, %select_n3A_70, %eq3A_217 : vector<64x128xi32>
    %convert_element_type3A_219 = arith.extui %eq3A_218 : vector<64x128xi1> to vector<64x128xi32>
    %convert_element_type3A_220 = arith.sitofp %convert_element_type3A_219 : vector<64x128xi32> to vector<64x128xf32>
    %dot_general3A_221 = arith.constant dense<0.000000e+00> : vector<64x128xf32>
    %dot_general3A_222 = tpu.matmul %convert_element_type3A_220, %convert_element_type3A_72, %dot_general3A_221 {dimension_numbers = #tpu.dot_dimension_numbers<[1], [0], [0], [1], [0, 0, 1, 1], [], []>, transpose_lhs_hint = false} : vector<64x128xf32>, vector<128x128xf32>, vector<64x128xf32> -> vector<64x128xf32>
    %reduce_sum3A_223 = arith.constant dense<0.000000e+00> : vector<64xf32>
    %reduce_sum3A_224 = vector.multi_reduction <add>, %convert_element_type3A_220, %reduce_sum3A_223 [1] : vector<64x128xf32> to vector<64xf32>
    %broadcast_in_dim3A_225 = vector.shape_cast %reduce_sum3A_224 : vector<64xf32> to vector<64x1xf32>
    %dot_general3A_226 = arith.constant dense<0.000000e+00> : vector<64x1xf32>
    %dot_general3A_227 = tpu.matmul %convert_element_type3A_77, %broadcast_in_dim3A_225, %dot_general3A_226 {dimension_numbers = #tpu.dot_dimension_numbers<[1], [0], [0], [1], [0, 0, 1, 1], [], []>, transpose_lhs_hint = false} : vector<64x64xf32>, vector<64x1xf32>, vector<64x1xf32> -> vector<64x1xf32>
    %add3A_228 = vector.broadcast %dot_general3A_227 : vector<64x1xf32> to vector<64x128xf32>
    %add3A_229 = arith.addf %dot_general3A_222, %add3A_228 : vector<64x128xf32>
    %reduce_sum3A_230 = vector.shape_cast %broadcast_in_dim3A_225 : vector<64x1xf32> to vector<1x64x1xf32>
    %reduce_sum3A_231 = arith.constant dense<0.000000e+00> : vector<1xf32>
    %reduce_sum3A_232 = vector.multi_reduction <add>, %reduce_sum3A_230, %reduce_sum3A_231 [1, 2] : vector<1x64x1xf32> to vector<1xf32>
    %reduce_sum3A_233 = vector.shape_cast %reduce_sum3A_232 : vector<1xf32> to vector<1x1x1xf32>
    %reduce_sum3A_234 = vector.extract %reduce_sum3A_233[0, 0, 0] : f32 from vector<1x1x1xf32>
    %reshape3A_235 = vector.broadcast %reduce_sum3A_234 : f32 to vector<1x1xf32>
    %add3A_236 = arith.constant 2.550000e+02 : f32
    %add3A_237 = vector.broadcast %add3A_236 : f32 to vector<1x1xf32>
    %add3A_238 = arith.addf %reshape3A_235, %add3A_237 : vector<1x1xf32>
    %mul3A_239 = arith.constant 3.906250e-03 : f32
    %mul3A_240 = vector.broadcast %mul3A_239 : f32 to vector<1x1xf32>
    %mul3A_241 = arith.mulf %add3A_238, %mul3A_240 : vector<1x1xf32>
    %floor3A_242 = math.floor %mul3A_241 : vector<1x1xf32>
    %mul3A_243 = arith.constant 2.560000e+02 : f32
    %mul3A_244 = vector.broadcast %mul3A_243 : f32 to vector<1x1xf32>
    %mul3A_245 = arith.mulf %add3A_215, %mul3A_244 : vector<1x1xf32>
    %add3A_246 = vector.broadcast %mul3A_245 : vector<1x1xf32> to vector<64x128xf32>
    %add3A_247 = arith.addf %add3A_246, %add3A_229 : vector<64x128xf32>
    %mul3A_248 = arith.mulf %convert_element_type3A_220, %add3A_247 : vector<64x128xf32>
    %add3A_249 = arith.addf %add3A_214, %mul3A_248 : vector<64x128xf32>
    %add3A_250 = arith.addf %add3A_215, %floor3A_242 : vector<1x1xf32>
    %eq3A_251 = arith.constant 5 : i32
    %eq3A_252 = vector.broadcast %eq3A_251 : i32 to vector<64x128xi32>
    %eq3A_253 = arith.cmpi eq, %select_n3A_70, %eq3A_252 : vector<64x128xi32>
    %convert_element_type3A_254 = arith.extui %eq3A_253 : vector<64x128xi1> to vector<64x128xi32>
    %convert_element_type3A_255 = arith.sitofp %convert_element_type3A_254 : vector<64x128xi32> to vector<64x128xf32>
    %dot_general3A_256 = arith.constant dense<0.000000e+00> : vector<64x128xf32>
    %dot_general3A_257 = tpu.matmul %convert_element_type3A_255, %convert_element_type3A_72, %dot_general3A_256 {dimension_numbers = #tpu.dot_dimension_numbers<[1], [0], [0], [1], [0, 0, 1, 1], [], []>, transpose_lhs_hint = false} : vector<64x128xf32>, vector<128x128xf32>, vector<64x128xf32> -> vector<64x128xf32>
    %reduce_sum3A_258 = arith.constant dense<0.000000e+00> : vector<64xf32>
    %reduce_sum3A_259 = vector.multi_reduction <add>, %convert_element_type3A_255, %reduce_sum3A_258 [1] : vector<64x128xf32> to vector<64xf32>
    %broadcast_in_dim3A_260 = vector.shape_cast %reduce_sum3A_259 : vector<64xf32> to vector<64x1xf32>
    %dot_general3A_261 = arith.constant dense<0.000000e+00> : vector<64x1xf32>
    %dot_general3A_262 = tpu.matmul %convert_element_type3A_77, %broadcast_in_dim3A_260, %dot_general3A_261 {dimension_numbers = #tpu.dot_dimension_numbers<[1], [0], [0], [1], [0, 0, 1, 1], [], []>, transpose_lhs_hint = false} : vector<64x64xf32>, vector<64x1xf32>, vector<64x1xf32> -> vector<64x1xf32>
    %add3A_263 = vector.broadcast %dot_general3A_262 : vector<64x1xf32> to vector<64x128xf32>
    %add3A_264 = arith.addf %dot_general3A_257, %add3A_263 : vector<64x128xf32>
    %reduce_sum3A_265 = vector.shape_cast %broadcast_in_dim3A_260 : vector<64x1xf32> to vector<1x64x1xf32>
    %reduce_sum3A_266 = arith.constant dense<0.000000e+00> : vector<1xf32>
    %reduce_sum3A_267 = vector.multi_reduction <add>, %reduce_sum3A_265, %reduce_sum3A_266 [1, 2] : vector<1x64x1xf32> to vector<1xf32>
    %reduce_sum3A_268 = vector.shape_cast %reduce_sum3A_267 : vector<1xf32> to vector<1x1x1xf32>
    %reduce_sum3A_269 = vector.extract %reduce_sum3A_268[0, 0, 0] : f32 from vector<1x1x1xf32>
    %reshape3A_270 = vector.broadcast %reduce_sum3A_269 : f32 to vector<1x1xf32>
    %add3A_271 = arith.constant 2.550000e+02 : f32
    %add3A_272 = vector.broadcast %add3A_271 : f32 to vector<1x1xf32>
    %add3A_273 = arith.addf %reshape3A_270, %add3A_272 : vector<1x1xf32>
    %mul3A_274 = arith.constant 3.906250e-03 : f32
    %mul3A_275 = vector.broadcast %mul3A_274 : f32 to vector<1x1xf32>
    %mul3A_276 = arith.mulf %add3A_273, %mul3A_275 : vector<1x1xf32>
    %floor3A_277 = math.floor %mul3A_276 : vector<1x1xf32>
    %mul3A_278 = arith.constant 2.560000e+02 : f32
    %mul3A_279 = vector.broadcast %mul3A_278 : f32 to vector<1x1xf32>
    %mul3A_280 = arith.mulf %add3A_250, %mul3A_279 : vector<1x1xf32>
    %add3A_281 = vector.broadcast %mul3A_280 : vector<1x1xf32> to vector<64x128xf32>
    %add3A_282 = arith.addf %add3A_281, %add3A_264 : vector<64x128xf32>
    %mul3A_283 = arith.mulf %convert_element_type3A_255, %add3A_282 : vector<64x128xf32>
    %add3A_284 = arith.addf %add3A_249, %mul3A_283 : vector<64x128xf32>
    %add3A_285 = arith.addf %add3A_250, %floor3A_277 : vector<1x1xf32>
    %eq3A_286 = arith.constant 6 : i32
    %eq3A_287 = vector.broadcast %eq3A_286 : i32 to vector<64x128xi32>
    %eq3A_288 = arith.cmpi eq, %select_n3A_70, %eq3A_287 : vector<64x128xi32>
    %convert_element_type3A_289 = arith.extui %eq3A_288 : vector<64x128xi1> to vector<64x128xi32>
    %convert_element_type3A_290 = arith.sitofp %convert_element_type3A_289 : vector<64x128xi32> to vector<64x128xf32>
    %dot_general3A_291 = arith.constant dense<0.000000e+00> : vector<64x128xf32>
    %dot_general3A_292 = tpu.matmul %convert_element_type3A_290, %convert_element_type3A_72, %dot_general3A_291 {dimension_numbers = #tpu.dot_dimension_numbers<[1], [0], [0], [1], [0, 0, 1, 1], [], []>, transpose_lhs_hint = false} : vector<64x128xf32>, vector<128x128xf32>, vector<64x128xf32> -> vector<64x128xf32>
    %reduce_sum3A_293 = arith.constant dense<0.000000e+00> : vector<64xf32>
    %reduce_sum3A_294 = vector.multi_reduction <add>, %convert_element_type3A_290, %reduce_sum3A_293 [1] : vector<64x128xf32> to vector<64xf32>
    %broadcast_in_dim3A_295 = vector.shape_cast %reduce_sum3A_294 : vector<64xf32> to vector<64x1xf32>
    %dot_general3A_296 = arith.constant dense<0.000000e+00> : vector<64x1xf32>
    %dot_general3A_297 = tpu.matmul %convert_element_type3A_77, %broadcast_in_dim3A_295, %dot_general3A_296 {dimension_numbers = #tpu.dot_dimension_numbers<[1], [0], [0], [1], [0, 0, 1, 1], [], []>, transpose_lhs_hint = false} : vector<64x64xf32>, vector<64x1xf32>, vector<64x1xf32> -> vector<64x1xf32>
    %add3A_298 = vector.broadcast %dot_general3A_297 : vector<64x1xf32> to vector<64x128xf32>
    %add3A_299 = arith.addf %dot_general3A_292, %add3A_298 : vector<64x128xf32>
    %reduce_sum3A_300 = vector.shape_cast %broadcast_in_dim3A_295 : vector<64x1xf32> to vector<1x64x1xf32>
    %reduce_sum3A_301 = arith.constant dense<0.000000e+00> : vector<1xf32>
    %reduce_sum3A_302 = vector.multi_reduction <add>, %reduce_sum3A_300, %reduce_sum3A_301 [1, 2] : vector<1x64x1xf32> to vector<1xf32>
    %reduce_sum3A_303 = vector.shape_cast %reduce_sum3A_302 : vector<1xf32> to vector<1x1x1xf32>
    %reduce_sum3A_304 = vector.extract %reduce_sum3A_303[0, 0, 0] : f32 from vector<1x1x1xf32>
    %reshape3A_305 = vector.broadcast %reduce_sum3A_304 : f32 to vector<1x1xf32>
    %add3A_306 = arith.constant 2.550000e+02 : f32
    %add3A_307 = vector.broadcast %add3A_306 : f32 to vector<1x1xf32>
    %add3A_308 = arith.addf %reshape3A_305, %add3A_307 : vector<1x1xf32>
    %mul3A_309 = arith.constant 3.906250e-03 : f32
    %mul3A_310 = vector.broadcast %mul3A_309 : f32 to vector<1x1xf32>
    %mul3A_311 = arith.mulf %add3A_308, %mul3A_310 : vector<1x1xf32>
    %floor3A_312 = math.floor %mul3A_311 : vector<1x1xf32>
    %mul3A_313 = arith.constant 2.560000e+02 : f32
    %mul3A_314 = vector.broadcast %mul3A_313 : f32 to vector<1x1xf32>
    %mul3A_315 = arith.mulf %add3A_285, %mul3A_314 : vector<1x1xf32>
    %add3A_316 = vector.broadcast %mul3A_315 : vector<1x1xf32> to vector<64x128xf32>
    %add3A_317 = arith.addf %add3A_316, %add3A_299 : vector<64x128xf32>
    %mul3A_318 = arith.mulf %convert_element_type3A_290, %add3A_317 : vector<64x128xf32>
    %add3A_319 = arith.addf %add3A_284, %mul3A_318 : vector<64x128xf32>
    %add3A_320 = arith.addf %add3A_285, %floor3A_312 : vector<1x1xf32>
    %eq3A_321 = arith.constant 7 : i32
    %eq3A_322 = vector.broadcast %eq3A_321 : i32 to vector<64x128xi32>
    %eq3A_323 = arith.cmpi eq, %select_n3A_70, %eq3A_322 : vector<64x128xi32>
    %convert_element_type3A_324 = arith.extui %eq3A_323 : vector<64x128xi1> to vector<64x128xi32>
    %convert_element_type3A_325 = arith.sitofp %convert_element_type3A_324 : vector<64x128xi32> to vector<64x128xf32>
    %dot_general3A_326 = arith.constant dense<0.000000e+00> : vector<64x128xf32>
    %dot_general3A_327 = tpu.matmul %convert_element_type3A_325, %convert_element_type3A_72, %dot_general3A_326 {dimension_numbers = #tpu.dot_dimension_numbers<[1], [0], [0], [1], [0, 0, 1, 1], [], []>, transpose_lhs_hint = false} : vector<64x128xf32>, vector<128x128xf32>, vector<64x128xf32> -> vector<64x128xf32>
    %reduce_sum3A_328 = arith.constant dense<0.000000e+00> : vector<64xf32>
    %reduce_sum3A_329 = vector.multi_reduction <add>, %convert_element_type3A_325, %reduce_sum3A_328 [1] : vector<64x128xf32> to vector<64xf32>
    %broadcast_in_dim3A_330 = vector.shape_cast %reduce_sum3A_329 : vector<64xf32> to vector<64x1xf32>
    %dot_general3A_331 = arith.constant dense<0.000000e+00> : vector<64x1xf32>
    %dot_general3A_332 = tpu.matmul %convert_element_type3A_77, %broadcast_in_dim3A_330, %dot_general3A_331 {dimension_numbers = #tpu.dot_dimension_numbers<[1], [0], [0], [1], [0, 0, 1, 1], [], []>, transpose_lhs_hint = false} : vector<64x64xf32>, vector<64x1xf32>, vector<64x1xf32> -> vector<64x1xf32>
    %add3A_333 = vector.broadcast %dot_general3A_332 : vector<64x1xf32> to vector<64x128xf32>
    %add3A_334 = arith.addf %dot_general3A_327, %add3A_333 : vector<64x128xf32>
    %mul3A_335 = arith.constant 2.560000e+02 : f32
    %mul3A_336 = vector.broadcast %mul3A_335 : f32 to vector<1x1xf32>
    %mul3A_337 = arith.mulf %add3A_320, %mul3A_336 : vector<1x1xf32>
    %add3A_338 = vector.broadcast %mul3A_337 : vector<1x1xf32> to vector<64x128xf32>
    %add3A_339 = arith.addf %add3A_338, %add3A_334 : vector<64x128xf32>
    %mul3A_340 = arith.mulf %convert_element_type3A_325, %add3A_339 : vector<64x128xf32>
    %add3A_341 = arith.addf %add3A_319, %mul3A_340 : vector<64x128xf32>
    %convert_element_type3A_342 = arith.fptosi %add3A_341 : vector<64x128xf32> to vector<64x128xi32>
    %swap3A = arith.constant 0 : index
    %swap3A_343 = arith.constant 0 : index
    %swap3A_344 = vector.load %arg2[%swap3A, %swap3A_343] : memref<64x128xi32, #tpu.memory_space<vmem>>, vector<64x128xi32>
    tpu.vector_store %arg2[%swap3A, %swap3A_343], %convert_element_type3A_342 {strides = array<i32>} : memref<64x128xi32, #tpu.memory_space<vmem>>, vector<64x128xi32>,
    %iota3A_345 = tpu.iota {dimensions = array<i32: 1>} : vector<1x40xi32>
    %convert_element_type3A_346 = arith.sitofp %iota3A_345 : vector<1x40xi32> to vector<1x40xf32>
    %broadcast_in_dim3A_347 = arith.constant 0.000000e+00 : f32
    %broadcast_in_dim3A_348 = vector.broadcast %broadcast_in_dim3A_347 : f32 to vector<1x40xf32>
    %ge3A = vector.broadcast %add3A_110 : vector<1x1xf32> to vector<1x40xf32>
    %ge3A_349 = arith.cmpf oge, %convert_element_type3A_346, %ge3A : vector<1x40xf32>
    %convert_element_type3A_350 = arith.extui %ge3A_349 : vector<1x40xi1> to vector<1x40xi32>
    %convert_element_type3A_351 = arith.sitofp %convert_element_type3A_350 : vector<1x40xi32> to vector<1x40xf32>
    %add3A_352 = arith.addf %broadcast_in_dim3A_348, %convert_element_type3A_351 : vector<1x40xf32>
    %ge3A_353 = vector.broadcast %add3A_145 : vector<1x1xf32> to vector<1x40xf32>
    %ge3A_354 = arith.cmpf oge, %convert_element_type3A_346, %ge3A_353 : vector<1x40xf32>
    %convert_element_type3A_355 = arith.extui %ge3A_354 : vector<1x40xi1> to vector<1x40xi32>
    %convert_element_type3A_356 = arith.sitofp %convert_element_type3A_355 : vector<1x40xi32> to vector<1x40xf32>
    %add3A_357 = arith.addf %add3A_352, %convert_element_type3A_356 : vector<1x40xf32>
    %ge3A_358 = vector.broadcast %add3A_180 : vector<1x1xf32> to vector<1x40xf32>
    %ge3A_359 = arith.cmpf oge, %convert_element_type3A_346, %ge3A_358 : vector<1x40xf32>
    %convert_element_type3A_360 = arith.extui %ge3A_359 : vector<1x40xi1> to vector<1x40xi32>
    %convert_element_type3A_361 = arith.sitofp %convert_element_type3A_360 : vector<1x40xi32> to vector<1x40xf32>
    %add3A_362 = arith.addf %add3A_357, %convert_element_type3A_361 : vector<1x40xf32>
    %ge3A_363 = vector.broadcast %add3A_215 : vector<1x1xf32> to vector<1x40xf32>
    %ge3A_364 = arith.cmpf oge, %convert_element_type3A_346, %ge3A_363 : vector<1x40xf32>
    %convert_element_type3A_365 = arith.extui %ge3A_364 : vector<1x40xi1> to vector<1x40xi32>
    %convert_element_type3A_366 = arith.sitofp %convert_element_type3A_365 : vector<1x40xi32> to vector<1x40xf32>
    %add3A_367 = arith.addf %add3A_362, %convert_element_type3A_366 : vector<1x40xf32>
    %ge3A_368 = vector.broadcast %add3A_250 : vector<1x1xf32> to vector<1x40xf32>
    %ge3A_369 = arith.cmpf oge, %convert_element_type3A_346, %ge3A_368 : vector<1x40xf32>
    %convert_element_type3A_370 = arith.extui %ge3A_369 : vector<1x40xi1> to vector<1x40xi32>
    %convert_element_type3A_371 = arith.sitofp %convert_element_type3A_370 : vector<1x40xi32> to vector<1x40xf32>
    %add3A_372 = arith.addf %add3A_367, %convert_element_type3A_371 : vector<1x40xf32>
    %ge3A_373 = vector.broadcast %add3A_285 : vector<1x1xf32> to vector<1x40xf32>
    %ge3A_374 = arith.cmpf oge, %convert_element_type3A_346, %ge3A_373 : vector<1x40xf32>
    %convert_element_type3A_375 = arith.extui %ge3A_374 : vector<1x40xi1> to vector<1x40xi32>
    %convert_element_type3A_376 = arith.sitofp %convert_element_type3A_375 : vector<1x40xi32> to vector<1x40xf32>
    %add3A_377 = arith.addf %add3A_372, %convert_element_type3A_376 : vector<1x40xf32>
    %ge3A_378 = vector.broadcast %add3A_320 : vector<1x1xf32> to vector<1x40xf32>
    %ge3A_379 = arith.cmpf oge, %convert_element_type3A_346, %ge3A_378 : vector<1x40xf32>
    %convert_element_type3A_380 = arith.extui %ge3A_379 : vector<1x40xi1> to vector<1x40xi32>
    %convert_element_type3A_381 = arith.sitofp %convert_element_type3A_380 : vector<1x40xi32> to vector<1x40xf32>
    %add3A_382 = arith.addf %add3A_377, %convert_element_type3A_381 : vector<1x40xf32>
    %convert_element_type3A_383 = arith.fptosi %add3A_382 : vector<1x40xf32> to vector<1x40xi32>
    %swap3A_384 = arith.constant 0 : index
    %swap3A_385 = arith.constant 0 : index
    %swap3A_386 = vector.load %arg3[%swap3A_384, %swap3A_385] : memref<1x40xi32, #tpu.memory_space<vmem>>, vector<1x40xi32>
    tpu.vector_store %arg3[%swap3A_384, %swap3A_385], %convert_element_type3A_383 {strides = array<i32>} : memref<1x40xi32, #tpu.memory_space<vmem>>, vector<1x40xi32>,
    return
  }
  func.func @transform_0(%arg0: i32) -> (i32, i32, i32) {
    %c0_i32 = arith.constant 0 : i32
    %c0_i32_0 = arith.constant 0 : i32
    %c0_i32_1 = arith.constant 0 : i32
    %c0_i32_2 = arith.constant 0 : i32
    return %c0_i32, %c0_i32_0, %c0_i32_1 : i32, i32, i32
  }
  func.func @transform_1(%arg0: i32) -> (i32, i32) {
    %c0_i32 = arith.constant 0 : i32
    %c0_i32_0 = arith.constant 0 : i32
    %c0_i32_1 = arith.constant 0 : i32
    return %c0_i32, %c0_i32_0 : i32, i32
  }
  func.func @transform_2(%arg0: i32) -> (i32, i32) {
    %c0_i32 = arith.constant 0 : i32
    %c0_i32_0 = arith.constant 0 : i32
    %c0_i32_1 = arith.constant 0 : i32
    return %c0_i32, %c0_i32_0 : i32, i32
  }
}

module attributes {stable_mosaic.version = 14 : i64} {
  func.func @_expert_kernel(%arg0: i32, %arg1: memref<40xi32, #tpu.memory_space<smem>>, %arg2: memref<256x1024xf32, #tpu.memory_space<vmem>>, %arg3: memref<1024x1024xf32, #tpu.memory_space<vmem>>, %arg4: memref<1x1x1024xf32, #tpu.memory_space<vmem>>, %arg5: memref<256x1024xf32, #tpu.memory_space<vmem>>) attributes {dimension_semantics = [#tpu.dimension_semantics<arbitrary>], iteration_bounds = array<i64: 40>, scalar_prefetch = 1 : i64, scratch_operands = 0 : i64, tpu.core_type = #tpu.core_type<tc>, window_params = [{transform_indices = @transform_0, window_bounds = array<i64: 256, 1024>}, {transform_indices = @transform_1, window_bounds = array<i64: 1024, 1024>}, {transform_indices = @transform_2, window_bounds = array<i64: 1, 1, 1024>}, {transform_indices = @transform_3, window_bounds = array<i64: 256, 1024>}]} {
    %get3A = arith.constant 0 : index
    %get3A_0 = arith.constant 0 : index
    %get3A_1 = vector.load %arg2[%get3A, %get3A_0] : memref<256x1024xf32, #tpu.memory_space<vmem>>, vector<256x1024xf32>
    %get3A_2 = arith.constant 0 : index
    %get3A_3 = arith.constant 0 : index
    %get3A_4 = vector.load %arg3[%get3A_2, %get3A_3] : memref<1024x1024xf32, #tpu.memory_space<vmem>>, vector<1024x1024xf32>
    %dot_general3A = arith.constant dense<0.000000e+00> : vector<256x1024xf32>
    %dot_general3A_5 = tpu.matmul %get3A_1, %get3A_4, %dot_general3A {dimension_numbers = #tpu.dot_dimension_numbers<[1], [0], [0], [1], [0, 0, 1, 1], [], []>, transpose_lhs_hint = false} : vector<256x1024xf32>, vector<1024x1024xf32>, vector<256x1024xf32> -> vector<256x1024xf32>
    %get3A_6 = arith.constant 0 : index
    %get3A_7 = arith.constant 0 : index
    %get3A_8 = arith.constant 0 : index
    %get3A_9 = vector.load %arg4[%get3A_6, %get3A_7, %get3A_8] : memref<1x1x1024xf32, #tpu.memory_space<vmem>>, vector<1x1x1024xf32>
    %get3A_10 = vector.shape_cast %get3A_9 : vector<1x1x1024xf32> to vector<1x1024xf32>
    %add3A = vector.broadcast %get3A_10 : vector<1x1024xf32> to vector<256x1024xf32>
    %add3A_11 = arith.addf %dot_general3A_5, %add3A : vector<256x1024xf32>
    %swap3A = arith.constant 0 : index
    %swap3A_12 = arith.constant 0 : index
    %swap3A_13 = vector.load %arg5[%swap3A, %swap3A_12] : memref<256x1024xf32, #tpu.memory_space<vmem>>, vector<256x1024xf32>
    tpu.vector_store %arg5[%swap3A, %swap3A_12], %add3A_11 {strides = array<i32>} : memref<256x1024xf32, #tpu.memory_space<vmem>>, vector<256x1024xf32>,
    return
  }
  func.func @transform_0(%arg0: i32, %arg1: memref<40xi32, #tpu.memory_space<smem>>) -> (i32, i32) {
    %c0_i32 = arith.constant 0 : i32
    %c0_i32_0 = arith.constant 0 : i32
    return %arg0, %c0_i32 : i32, i32
  }
  func.func @transform_1(%arg0: i32, %arg1: memref<40xi32, #tpu.memory_space<smem>>) -> (i32, i32) {
    %get3A = arith.index_cast %arg0 : i32 to index
    %get3A_0 = memref.load %arg1[%get3A] : memref<40xi32, #tpu.memory_space<smem>>
    %c0_i32 = arith.constant 0 : i32
    %c0_i32_1 = arith.constant 0 : i32
    return %c0_i32, %get3A_0 : i32, i32
  }
  func.func @transform_2(%arg0: i32, %arg1: memref<40xi32, #tpu.memory_space<smem>>) -> (i32, i32, i32) {
    %get3A = arith.index_cast %arg0 : i32 to index
    %get3A_0 = memref.load %arg1[%get3A] : memref<40xi32, #tpu.memory_space<smem>>
    %c0_i32 = arith.constant 0 : i32
    %c0_i32_1 = arith.constant 0 : i32
    %c0_i32_2 = arith.constant 0 : i32
    return %get3A_0, %c0_i32, %c0_i32_1 : i32, i32, i32
  }
  func.func @transform_3(%arg0: i32, %arg1: memref<40xi32, #tpu.memory_space<smem>>) -> (i32, i32) {
    %c0_i32 = arith.constant 0 : i32
    %c0_i32_0 = arith.constant 0 : i32
    return %arg0, %c0_i32 : i32, i32
  }
}

</mosaic_0001>

<sc_bundles>
// kernel: kernel.10.cloned.1.call-start
scs
__scs_entry_jumppad:
0x0: {  	(pc) =	sbr.rel $0x88, $3  }
0x1: {  	(tag) =	ssettag $0x0;
	lr =	simm.s32 $0x1  }
0x2: {  	[smem:$0x3F9A] =	sst lr;
	_ =	strace $0xD0000000  }
0x3: {  	_ = 	snop  }
0x4: {  	_ = 	snop  }
0x5: {  	_ = 	snop  }
0x6: {  	_ = 	snop  }
0x7: {  	_ = 	snop  }
__scs_overlays_trampoline_lowered:
0x8: {  	[smem:$0x3FA9] =	sst s0  }
0x9: {  	[smem:$0x3FAA] =	sst s1  }
0xa: {  	[smem:$0x3FAB] =	sst s2  }
0xb: {  	[smem:$0x3FAC] =	sst s3  }
0xc: {  	[smem:$0x3FAD] =	sst s4  }
0xd: {  	[smem:$0x3FAE] =	sst s5  }
0xe: {  	[smem:$0x3FAF] =	sst s6  }
0xf: {  	[smem:$0x3FB0] =	sst s7  }
0x10: {  	[smem:$0x3FB1] =	sst s8  }
0x11: {  	[smem:$0x3FB2] =	sst s9;
	s0 =	simm.s32 @!p0 $0x0  }
0x12: {  	s1 =	sld [smem:$0x3F98];
	s0 =	simm.s32 @p0 $0x1  }
0x13: {  	[smem:$0x3FB3] =	sst s0;
	s0 =	simm.s32 @!p1 $0x0  }
0x14: {  	s2 =	sld [smem:$0x3F97];
	s0 =	simm.s32 @p1 $0x1  }
0x15: {  	[smem:$0x3FB4] =	sst s0;
	s0 =	simm.s32 @!p2 $0x0  }
0x16: {  	s3 =	sld [smem:$0x3FDB];
	s0 =	simm.s32 @p2 $0x1  }
0x17: {  	s4 =	simm.s32 $0x1BF5;
	[smem:$0x3FB6] =	sst s0  }
0x18: {  	s0 =	sld [smem:$0x3F99];
	_ =	swait.ge [sflag:s4], $0x0  }
0x19: {  	s7 =	sld [smem:$0x3F9A]  }
0x1a: {  	s8 =	sadd.s32 $0xFFFFE003, lr  }
0x1b: {  	s9 =	sadd.s32 $0xFFFFFEF7, lr;
	s5 =	simm.s32 $0xFFFFFFFF;
	p2 =	slt.u32 s8, $0xFFFFF086  }
0x1c: {  	p1 =	slt.u32 s9, $0xF7A;
	s5 =	simm.s32 @!p2 $0x0  }
0x1d: {  	s5 =	simm.s32 @p1 $0x1;
	p0 =	seq.s32 s7, s2  }
0x1e: {  	s7 =	smul.u32 @!p0 $0xF7A, s2;
	p2 =	seq.s32 @!p0 s5, $0x0  }
0x1f: {  	s9 =	smul.u32 $0xF7A, s1;
	s8 =	simm.s32 @!p0 $0x1BF5;
	p2 =	por !p2, p0  }
0x20: {  	[sflag:s8] =	ssyncset.s32 @!p0 $0xFFFFF086;
	s6 =	sadd.s32 @!p0 s3, s7;
	s7 =	simm.s32 @!p0 $0x108  }
0x21: {  	s3 =	sadd.s32 s3, s9;
	s6 =	sadd.s32 @!p0 $0x88, s6;
	s7 =	simm.s32 @p2 $0x1082  }
0x22: {  	[simem:s7], [sflag:s8] =	dma.local @!p0 [hbm:s6], $0xF7A  }
0x23: {  	s9 =	sor.u32 $0xD0000000, s2;
	s6 =	simm.s32 $0x108;
	_ =	swait.ge @!p0 [sflag:s8], $0x0  }
0x24: {  	s3 =	sadd.s32 $0x88, s3;
	s6 =	simm.s32 @!p1 $0x1082;
	[sflag:s4] =	ssyncset.s32 $0xFFFFF086  }
0x25: {  	[simem:s6], [sflag:s4] =	dma.local [hbm:s3], $0xF7A  }
0x26: {  	[smem:$0x3F9A] =	sst s1;
	(tag) =	ssettag s2;
	_ =	strace s9  }
0x27: {  	s1 =	sld [smem:$0x3FAA]  }
0x28: {  	s2 =	sld [smem:$0x3FAB]  }
0x29: {  	s4 =	sld [smem:$0x3FAD]  }
0x2a: {  	p0 =	seq.s32 s5, $0x0;
	s5 =	sld [smem:$0x3FAE]  }
0x2b: {  	s6 =	sld [smem:$0x3FAF]  }
0x2c: {  	s7 =	sld [smem:$0x3FB0]  }
0x2d: {  	s3 =	simm.s32 $0x108;
	s8 =	sld [smem:$0x3FB1]  }
0x2e: {  	s3 =	simm.s32 @!p0 $0x1082;
	s9 =	sld [smem:$0x3FB2]  }
0x2f: {  	lr =	sadd.s32 s0, s3;
	s0 =	sld [smem:$0x3FA9]  }
0x30: {  	s3 =	sld [smem:$0x3FAC]  }
0x31: {  	[smem:$0x3FB5] =	sst s10  }
0x32: {  	s10 =	sld [smem:$0x3FB3];
	_ =	sdelay $0x3  }
0x33: {  	p0 =	seq.s32 s10, $0x1;
	s10 =	sld [smem:$0x3FB5];
	_ =	sdelay $0x3  }
0x34: {  	[smem:$0x3FB5] =	sst s10  }
0x35: {  	s10 =	sld [smem:$0x3FB4];
	_ =	sdelay $0x3  }
0x36: {  	p1 =	seq.s32 s10, $0x1;
	s10 =	sld [smem:$0x3FB5];
	_ =	sdelay $0x3  }
0x37: {  	[smem:$0x3FB5] =	sst s10  }
0x38: {  	s10 =	sld [smem:$0x3FB6]  }
0x39: {  	_ = 	snop;
	(pc) =	sbr.ind lr, $3  }
0x3a: {  	_ = 	snop  }
0x3b: {  	_ = 	snop  }
0x3c: {  	p2 =	seq.s32 s10, $0x1;
	s10 =	sld [smem:$0x3FB5]  }
0x3d: {  	_ =	shalt  }
0x3e: {  	_ =	shalt  }
0x3f: {  	_ =	shalt  }
0x40: {  	_ =	shalt  }
0x41: {  	_ =	shalt  }
0x42: {  	_ =	shalt  }
0x43: {  	_ =	shalt  }
0x44: {  	_ =	shalt  }
0x45: {  	_ =	shalt  }
0x46: {  	_ =	shalt  }
0x47: {  	_ =	shalt  }
0x48: {  	_ =	shalt  }
0x49: {  	_ =	shalt  }
0x4a: {  	_ =	shalt  }
0x4b: {  	_ =	shalt  }
0x4c: {  	_ =	shalt  }
0x4d: {  	_ =	shalt  }
0x4e: {  	_ =	shalt  }
0x4f: {  	_ =	shalt  }
0x50: {  	_ =	shalt  }
0x51: {  	_ =	shalt  }
0x52: {  	_ =	shalt  }
0x53: {  	_ =	shalt  }
0x54: {  	_ =	shalt  }
0x55: {  	_ =	shalt  }
0x56: {  	_ =	shalt  }
0x57: {  	_ =	shalt  }
0x58: {  	_ =	shalt  }
0x59: {  	_ =	shalt  }
0x5a: {  	_ =	shalt  }
0x5b: {  	_ =	shalt  }
0x5c: {  	_ =	shalt  }
0x5d: {  	_ =	shalt  }
0x5e: {  	_ =	shalt  }
0x5f: {  	_ =	shalt  }
0x60: {  	_ =	shalt  }
0x61: {  	_ =	shalt  }
0x62: {  	_ =	shalt  }
0x63: {  	_ =	shalt  }
0x64: {  	_ =	shalt  }
0x65: {  	_ =	shalt  }
0x66: {  	_ =	shalt  }
0x67: {  	_ =	shalt  }
0x68: {  	_ =	shalt  }
0x69: {  	_ =	shalt  }
0x6a: {  	_ =	shalt  }
0x6b: {  	_ =	shalt  }
0x6c: {  	_ =	shalt  }
0x6d: {  	_ =	shalt  }
0x6e: {  	_ =	shalt  }
0x6f: {  	_ =	shalt  }
0x70: {  	_ =	shalt  }
0x71: {  	_ =	shalt  }
0x72: {  	_ =	shalt  }
0x73: {  	_ =	shalt  }
0x74: {  	_ =	shalt  }
0x75: {  	_ =	shalt  }
0x76: {  	_ =	shalt  }
0x77: {  	_ =	shalt  }
0x78: {  	_ =	shalt  }
0x79: {  	_ =	shalt  }
0x7a: {  	_ =	shalt  }
0x7b: {  	_ =	shalt  }
0x7c: {  	_ =	shalt  }
0x7d: {  	_ =	shalt  }
0x7e: {  	_ =	shalt  }
0x7f: {  	_ =	shalt  }
0x80: {  	_ =	shalt  }
0x81: {  	_ =	shalt  }
0x82: {  	_ =	shalt  }
0x83: {  	_ =	shalt  }
0x84: {  	_ =	shalt  }
0x85: {  	_ =	shalt  }
0x86: {  	_ =	shalt  }
0x87: {  	_ =	shalt  }
.Lfunc_end0:
.L_simem_size_0:
called_computation.1_lowered:
.L_overlay_start_0:
0x88: {  	s2 =	sld [smem:$0x3FD9]  }
0x89: {  	s3 =	sld [smem:$0x3FFE];
	_ =	sdelay $0x1  }
0x8a: {  	s1 =	srdreg.scid  }
0x8b: {  	s0 =	sand.u32 $0x1, s1  }
0x8c: {  	s17 =	sshll.u32 s0, $0xA;
	s2 =	sadd.s32 s3, s2  }
0x8d: {  	s2 =	sadd.s32 s2, s17  }
0x8e: {  	[smem:$0x3FC1] =	sst s2  }
0x8f: {  	_ = 	snop  }
0x90: {  	s2 =	sld [smem:$0x3FD0];
	(tm) =	ssettm $0x1  }
0x91: {  	s18 =	sld [smem:$0x3FFB];
	_ =	sdelay $0x3  }
0x92: {  	_ =	strace s18  }
0x93: {  	s3 =	sld [smem:$0x3FFC];
	_ =	sdelay $0x3  }
0x94: {  	_ =	strace s3  }
0x95: {  	s3 =	sld [smem:$0x3FFD];
	_ =	sdelay $0x3  }
0x96: {  	_ =	strace s3  }
0x97: {  	_ =	strace $0x8FFFFFFF  }
0x98: {  	s19 =	sld [smem:$0x3FDB];
	_ =	sdelay $0x1  }
0x99: {  	s4 =	simm.s32 $_scs_section_size  }
0x9a: {  	s5 =	simm.s32 $_size__tile_overlayer_lowered;
	s6 =	simm.s32 $_tile_overlayer_lowered  }
0x9b: {  	s22 =	simm.s32 $0x1BFF;
	s21 =	sshll.u32 s6, $0x1;
	s3 =	sadd.s32 s4, s19  }
0x9c: {  	s7 =	simm.s32 $0x0;
	s20 =	sshll.u32 s5, $0x1;
	s5 =	sadd.s32 s21, s3  }
0x9d: {  	[timem:s7], [sflag:s22] =	dma.local [hbm:s5], s20  }
0x9e: {  	_ =	swait.ge [sflag:s22], s20  }
0x9f: {  	s4 =	ssub.s32 $0x0, s20;
	[sflag:s22] =	ssyncset.done $0x0  }
0xa0: {  	[sflag:s22] =	ssyncadd.s32 s4;
	_ =	sdelay $0x1  }
0xa1: {  	s23 =	simm.s32 $0x1B8B  }
0xa2: {  	_ =	swait.ge [sflag:s23], $0x1  }
0xa3: {  	[sflag:s23] =	ssyncset.done $0x0  }
0xa4: {  	s25 =	simm.s32 $0x1B8E;
	s24 =	sld [smem:$0x3FFE];
	[sflag:s23] =	ssyncadd.s32 $0xFFFFFFFF  }
0xa5: {  	s26 =	simm.s32 $execute0_lowered;
	[smem:$0x3FD2] =	sst s25  }
0xa6: {  	s5 =	sshll.u32 s26, $0x1;
	_ =	strace $0x80000049;
	[dreg:$0x1] =	wrdreg $0xFFFFFFFF  }
0xa7: {  	s28 =	simm.s32 $_size_execute0_lowered;
	s3 =	sadd.s32 s3, s5;
	[dreg:$0x0] =	wrdreg $0x0  }
0xa8: {  	s5 =	sshll.u32 s28, $0x1;
	[dreg:$0x2] =	wrdreg s3  }
0xa9: {  	[dreg:$0x3] =	wrdreg s5  }
0xaa: {  	[dreg:$0x4] =	wrdreg $0xC0  }
0xab: {  	_ =	task [dreg:s7], $0x5FFFF  }
0xac: {  	[dreg:$0x1] =	wrdreg $0xFFFFFFFF  }
0xad: {  	[dreg:$0x0] =	wrdreg $0x60  }
0xae: {  	[dreg:$0x2] =	wrdreg s24  }
0xaf: {  	[dreg:$0x3] =	wrdreg s2  }
0xb0: {  	[dreg:$0x4] =	wrdreg $0x9  }
0xb1: {  	_ =	task.clear_ibuf [dreg:s7], $0x5FFFF;
	_ =	strace $0x90000049  }
0xb2: {  	s29 =	simm.s32 $0x9;
	_ =	strace $0x8000004B  }
0xb3: {  	_ =	swait.ge [sflag:s29], $0x1  }
0xb4: {  	[sflag:s29] =	ssyncadd.s32 $0xFFFFFFFF  }
0xb5: {  	_ =	strace $0x9000004B  }
0xb6: {  	_ =	sfence  }
0xb7: {  	s30 =	sld [smem:$0x0];
	_ =	sdelay $0x2  }
0xb8: {  	s31 =	sshll.u32 s1, $0xD;
	s1 =	sshrl.u32 s1, $0x2  }
0xb9: {  	s3 =	sand.u32 $0x4000, s31;
	s1 =	sadd.s32 s1, s30  }
0xba: {  	s0 =	sor.u32 s3, s0;
	s1 =	sshll.u32 s1, $0x11  }
0xbb: {  	s0 =	sor.u32 s1, s0  }
0xbc: {  	s0 =	sadd.s32 $0x8F2B, s0  }
0xbd: {  	[sflag:s0] =	ssyncadd.remote.s32 $0x1  }
0xbe: {  	_ =	sfence.sel $0xFFFF  }
0xbf: {  	[dreg:$0x0] =	wrdreg $0xFFFFFFFF;
	(pc) =	sbr.abs _section_cstart, $3  }
0xc0: {  	[dreg:$0x1] =	wrdreg $0xFFFFFFFF  }
0xc1: {  	_ =	task.clear_ibuf [dreg:s7], $0x2FFFF;
	_ =	strace $0x9FFFFFFF  }
0xc2: {  	(tm) =	ssettm $0x7FFFFFFF  }
0xc3: {  	_ =	shalt  }
tec
execute0_lowered:
.L_overlay_start_1:
0x0: {  	(tag) =	ssettag $0x1  }
0x1: {  	s0 =	rddreg [dreg:$0x0]  }
0x2: {  	s2 =	rddreg [dreg:$0x1];
	s1 =	simm.s32 $0x0  }
0x3: {  	s3 =	srdreg.scid;
	s8 =	stileid.u32;
	s24 =	simm.s32 $0x200  }
0x4: {  	s19 =	simm.s32 $0x1;
	[smem:$0x7FF] =	sst s1;
	s4 =	sand.u32 $0x1, s3  }
0x5: {  	s3 =	sadd.s32 $0x141A00, s0;
	s7 =	sshll.u32 s8, $0x7;
	s8 =	sshll.u32 s8, $0x10  }
0x6: {  	s5 =	sshll.u32 s4, $0x6;
	s6 =	ssub.s32 $0x2, s4;
	s4 =	sshll.u32 s4, $0xF  }
0x7: {  	_ =	strace $0x8000004A;
	s5 =	sadd.s32 s5, s0;
	s4 =	sor.u32 s4, s8  }
0x8: {  	s9 =	sshrl.u32 s6, $0x1;
	s5 =	sadd.s32 s7, s5;
	s4 =	sadd.s32 s2, s4  }
0x9: {  	s29 =	ssub.s32 s6, s9;
	s5 =	sadd.s32 $0x1200, s5;
	[dreg:$0x7] =	wrdreg s4  }
0xa: {  	s6 =	sadd.s32 $0x141C00, s0;
	s2 =	sadd.s32 $0x2000, s4;
	[dreg:$0x3] =	wrdreg s5  }
0xb: {  	v2 =	vlaneseq.u32;
	s7 =	sadd.s32 $0x141D00, s0;
	s30 =	sadd.s32 $0x4000, s4;
	[dreg:$0x4] =	wrdreg s2  }
0xc: {  	vm0 =	vmmov $0xffff;
	v1 =	vshrl.u32 v2, $0x3;
	s9 =	simm.s32 $0x2;
	s31 =	sadd.s32 $0x6000, s4;
	[dreg:$0x5] =	wrdreg s30  }
0xd: {  	v0 =	vand.u32 $0x7, v2;
	v2 =	vor.u32 $0x8, v2;
	v1 =	vmul.u32 $0x8, v1;
	s8 =	smax.u32 s29, $0x1;
	s5 =	sadd.s32 $0x141B00, s0;
	[dreg:$0x6] =	wrdreg s31  }
.LBB2_1:
0xe: {  	s20 =	rddreg [dreg:$0x3]  }
0xf: {  	[tilespmem:s1], [sflag:$0x2] =	stream.linear.gather [hbm4b:s20+s1], $0x200, $0x38;
	[tilespmem:$0x10200] =	vst v63  }
0x10: {  	_ =	swait.ge [sflag:s9], $0x200  }
0x11: {  	[sflag:s9] =	ssyncset.done $0x0  }
0x12: {  	[sflag:s9] =	ssyncadd.s32 $0xFFFFFE00  }
0x13: {  	v3 =	vld [tilespmem:$0x0];
	_ =	sdelay $0x4  }
0x14: {  	v4 =	vshll.u32 v3, $0x3  }
0x15: {  	v3 =	vand.u32 $0x7, v3;
	v4 =	vand.u32 $0xFFFFFFC0, v4  }
0x16: {  	v3 =	vor.u32 v3, v4  }
0x17: {  	v4 =	vperm.xlane v3, v0;
	_ =	sdelay $0x1  }
0x18: {  	v4 =	vadd.s32 v1, v4;
	_ =	sdelay $0x4  }
0x19: {  	[tilespmem:s24], [sflag:$0x1] =	stream.indirect_vreg.gather [hbm4b:s3+s1], $0x80, v4, vm0, $0xb8;
	[tilespmem:$0x10200] =	vst v63  }
0x1a: {  	s0 =	simm.s32 $0xA00;
	v3 =	vperm.xlane v3, v2  }
0x1b: {  	[tilespmem:s0], [sflag:$0x1] =	stream.indirect_vreg.gather [hbm4b:s5+s1], $0x80, v4, vm0, $0xb8;
	[tilespmem:$0x10200] =	vst v63  }
0x1c: {  	s4 =	simm.s32 $0x1200;
	v3 =	vadd.s32 v1, v3  }
0x1d: {  	[tilespmem:s4], [sflag:$0x1] =	stream.indirect_vreg.gather [hbm4b:s6+s1], $0x80, v4, vm0, $0xb8;
	[tilespmem:$0x10200] =	vst v63  }
0x1e: {  	s10 =	simm.s32 $0x1A00  }
0x1f: {  	[tilespmem:s10], [sflag:$0x1] =	stream.indirect_vreg.gather [hbm4b:s7+s1], $0x80, v4, vm0, $0xb8;
	[tilespmem:$0x10200] =	vst v63  }
0x20: {  	s11 =	simm.s32 $0x2200  }
0x21: {  	[tilespmem:s11], [sflag:$0x1] =	stream.indirect_vreg.gather [hbm4b:s3+s1], $0x80, v3, vm0, $0xb8;
	[tilespmem:$0x10200] =	vst v63  }
0x22: {  	s12 =	simm.s32 $0x2A00  }
0x23: {  	[tilespmem:s12], [sflag:$0x1] =	stream.indirect_vreg.gather [hbm4b:s5+s1], $0x80, v3, vm0, $0xb8;
	[tilespmem:$0x10200] =	vst v63  }
0x24: {  	s13 =	simm.s32 $0x3200  }
0x25: {  	[tilespmem:s13], [sflag:$0x1] =	stream.indirect_vreg.gather [hbm4b:s6+s1], $0x80, v3, vm0, $0xb8;
	[tilespmem:$0x10200] =	vst v63  }
0x26: {  	s15 =	simm.s32 $0x3A00  }
0x27: {  	[tilespmem:s15], [sflag:$0x1] =	stream.indirect_vreg.gather [hbm4b:s7+s1], $0x80, v3, vm0, $0xb8;
	[tilespmem:$0x10200] =	vst v63  }
0x28: {  	v3 =	vld [tilespmem:$0x10];
	_ =	sdelay $0x4  }
0x29: {  	v49 =	vshll.u32 v3, $0x3  }
0x2a: {  	v3 =	vand.u32 $0x7, v3;
	v4 =	vand.u32 $0xFFFFFFC0, v49  }
0x2b: {  	v3 =	vor.u32 v3, v4  }
0x2c: {  	v4 =	vperm.xlane v3, v0;
	_ =	sdelay $0x1  }
0x2d: {  	v4 =	vadd.s32 v1, v4;
	_ =	sdelay $0x3  }
0x2e: {  	s16 =	simm.s32 $0x4200  }
0x2f: {  	[tilespmem:s16], [sflag:$0x1] =	stream.indirect_vreg.gather [hbm4b:s3+s1], $0x80, v4, vm0, $0xb8;
	[tilespmem:$0x10200] =	vst v63  }
0x30: {  	s17 =	simm.s32 $0x4A00;
	v3 =	vperm.xlane v3, v2  }
0x31: {  	[tilespmem:s17], [sflag:$0x1] =	stream.indirect_vreg.gather [hbm4b:s5+s1], $0x80, v4, vm0, $0xb8;
	[tilespmem:$0x10200] =	vst v63  }
0x32: {  	s18 =	simm.s32 $0x5200;
	v3 =	vadd.s32 v1, v3  }
0x33: {  	[tilespmem:s18], [sflag:$0x1] =	stream.indirect_vreg.gather [hbm4b:s6+s1], $0x80, v4, vm0, $0xb8;
	[tilespmem:$0x10200] =	vst v63  }
0x34: {  	s20 =	simm.s32 $0x5A00  }
0x35: {  	[tilespmem:s20], [sflag:$0x1] =	stream.indirect_vreg.gather [hbm4b:s7+s1], $0x80, v4, vm0, $0xb8;
	[tilespmem:$0x10200] =	vst v63  }
0x36: {  	s21 =	simm.s32 $0x6200  }
0x37: {  	[tilespmem:s21], [sflag:$0x1] =	stream.indirect_vreg.gather [hbm4b:s3+s1], $0x80, v3, vm0, $0xb8;
	[tilespmem:$0x10200] =	vst v63  }
0x38: {  	s22 =	simm.s32 $0x6A00  }
0x39: {  	[tilespmem:s22], [sflag:$0x1] =	stream.indirect_vreg.gather [hbm4b:s5+s1], $0x80, v3, vm0, $0xb8;
	[tilespmem:$0x10200] =	vst v63  }
0x3a: {  	s23 =	simm.s32 $0x7200  }
0x3b: {  	[tilespmem:s23], [sflag:$0x1] =	stream.indirect_vreg.gather [hbm4b:s6+s1], $0x80, v3, vm0, $0xb8;
	[tilespmem:$0x10200] =	vst v63  }
0x3c: {  	s25 =	simm.s32 $0x7A00  }
0x3d: {  	[tilespmem:s25], [sflag:$0x1] =	stream.indirect_vreg.gather [hbm4b:s7+s1], $0x80, v3, vm0, $0xb8;
	[tilespmem:$0x10200] =	vst v63  }
0x3e: {  	v3 =	vld [tilespmem:$0x20];
	_ =	sdelay $0x4  }
0x3f: {  	v50 =	vshll.u32 v3, $0x3  }
0x40: {  	v3 =	vand.u32 $0x7, v3;
	v4 =	vand.u32 $0xFFFFFFC0, v50  }
0x41: {  	v3 =	vor.u32 v3, v4  }
0x42: {  	v4 =	vperm.xlane v3, v0;
	_ =	sdelay $0x1  }
0x43: {  	v4 =	vadd.s32 v1, v4;
	_ =	sdelay $0x3  }
0x44: {  	s26 =	simm.s32 $0x8200  }
0x45: {  	[tilespmem:s26], [sflag:$0x1] =	stream.indirect_vreg.gather [hbm4b:s3+s1], $0x80, v4, vm0, $0xb8;
	[tilespmem:$0x10200] =	vst v63  }
0x46: {  	s28 =	simm.s32 $0x8A00;
	v3 =	vperm.xlane v3, v2  }
0x47: {  	[tilespmem:s28], [sflag:$0x1] =	stream.indirect_vreg.gather [hbm4b:s5+s1], $0x80, v4, vm0, $0xb8;
	[tilespmem:$0x10200] =	vst v63  }
0x48: {  	s29 =	simm.s32 $0x9200;
	v3 =	vadd.s32 v1, v3  }
0x49: {  	[tilespmem:s29], [sflag:$0x1] =	stream.indirect_vreg.gather [hbm4b:s6+s1], $0x80, v4, vm0, $0xb8;
	[tilespmem:$0x10200] =	vst v63  }
0x4a: {  	s30 =	simm.s32 $0x9A00  }
0x4b: {  	[tilespmem:s30], [sflag:$0x1] =	stream.indirect_vreg.gather [hbm4b:s7+s1], $0x80, v4, vm0, $0xb8;
	[tilespmem:$0x10200] =	vst v63  }
0x4c: {  	s31 =	simm.s32 $0xA200  }
0x4d: {  	[tilespmem:s31], [sflag:$0x1] =	stream.indirect_vreg.gather [hbm4b:s3+s1], $0x80, v3, vm0, $0xb8;
	[tilespmem:$0x10200] =	vst v63  }
0x4e: {  	s16 =	simm.s32 $0xAA00  }
0x4f: {  	[tilespmem:s16], [sflag:$0x1] =	stream.indirect_vreg.gather [hbm4b:s5+s1], $0x80, v3, vm0, $0xb8;
	[tilespmem:$0x10200] =	vst v63  }
0x50: {  	s18 =	simm.s32 $0xB200  }
0x51: {  	[tilespmem:s18], [sflag:$0x1] =	stream.indirect_vreg.gather [hbm4b:s6+s1], $0x80, v3, vm0, $0xb8;
	[tilespmem:$0x10200] =	vst v63  }
0x52: {  	s21 =	simm.s32 $0xBA00  }
0x53: {  	[tilespmem:s21], [sflag:$0x1] =	stream.indirect_vreg.gather [hbm4b:s7+s1], $0x80, v3, vm0, $0xb8;
	[tilespmem:$0x10200] =	vst v63  }
0x54: {  	v3 =	vld [tilespmem:$0x30];
	_ =	sdelay $0x4  }
0x55: {  	v51 =	vshll.u32 v3, $0x3  }
0x56: {  	v3 =	vand.u32 $0x7, v3;
	v4 =	vand.u32 $0xFFFFFFC0, v51  }
0x57: {  	v3 =	vor.u32 v3, v4  }
0x58: {  	v4 =	vperm.xlane v3, v0;
	_ =	sdelay $0x1  }
0x59: {  	v4 =	vadd.s32 v1, v4;
	_ =	sdelay $0x3  }
0x5a: {  	s22 =	simm.s32 $0xC200  }
0x5b: {  	[tilespmem:s22], [sflag:$0x1] =	stream.indirect_vreg.gather [hbm4b:s3+s1], $0x80, v4, vm0, $0xb8;
	[tilespmem:$0x10200] =	vst v63  }
0x5c: {  	s23 =	simm.s32 $0xCA00;
	v3 =	vperm.xlane v3, v2  }
0x5d: {  	[tilespmem:s23], [sflag:$0x1] =	stream.indirect_vreg.gather [hbm4b:s5+s1], $0x80, v4, vm0, $0xb8;
	[tilespmem:$0x10200] =	vst v63  }
0x5e: {  	s25 =	simm.s32 $0xD200;
	v3 =	vadd.s32 v1, v3  }
0x5f: {  	[tilespmem:s25], [sflag:$0x1] =	stream.indirect_vreg.gather [hbm4b:s6+s1], $0x80, v4, vm0, $0xb8;
	[tilespmem:$0x10200] =	vst v63  }
0x60: {  	s26 =	simm.s32 $0xDA00  }
0x61: {  	[tilespmem:s26], [sflag:$0x1] =	stream.indirect_vreg.gather [hbm4b:s7+s1], $0x80, v4, vm0, $0xb8;
	[tilespmem:$0x10200] =	vst v63  }
0x62: {  	s28 =	simm.s32 $0xE200  }
0x63: {  	[tilespmem:s28], [sflag:$0x1] =	stream.indirect_vreg.gather [hbm4b:s3+s1], $0x80, v3, vm0, $0xb8;
	[tilespmem:$0x10200] =	vst v63  }
0x64: {  	s29 =	simm.s32 $0xEA00  }
0x65: {  	[tilespmem:s29], [sflag:$0x1] =	stream.indirect_vreg.gather [hbm4b:s5+s1], $0x80, v3, vm0, $0xb8;
	[tilespmem:$0x10200] =	vst v63  }
0x66: {  	s30 =	simm.s32 $0xF200  }
0x67: {  	[tilespmem:s30], [sflag:$0x1] =	stream.indirect_vreg.gather [hbm4b:s6+s1], $0x80, v3, vm0, $0xb8;
	[tilespmem:$0x10200] =	vst v63  }
0x68: {  	s0 =	simm.s32 $0xFA00  }
0x69: {  	[tilespmem:s0], [sflag:$0x1] =	stream.indirect_vreg.gather [hbm4b:s7+s1], $0x80, v3, vm0, $0xb8;
	[tilespmem:$0x10200] =	vst v63  }
0x6a: {  	_ =	swait.ge [sflag:s19], $0x10000  }
0x6b: {  	[sflag:s19] =	ssyncset.done $0x0  }
0x6c: {  	s16 =	rddreg [dreg:$0x7];
	[sflag:s19] =	ssyncadd.s32 $0xFFFF0000  }
0x6d: {  	[hbm4b:s16+s1] =	stream.linear.scatter [tilespmem:s24], [sflag:$0x2], $0x10000, $0x38;
	[tilespmem:$0x10200] =	vst v63  }
0x6e: {  	_ =	swait.ge [sflag:s9], $0x10000  }
0x6f: {  	[sflag:s9] =	ssyncset.done $0x0  }
0x70: {  	[sflag:s9] =	ssyncadd.s32 $0xFFFF0000  }
0x71: {  	v3 =	vld [tilespmem:$0x80];
	_ =	sdelay $0x4  }
0x72: {  	v52 =	vshll.u32 v3, $0x3  }
0x73: {  	v3 =	vand.u32 $0x7, v3;
	v4 =	vand.u32 $0xFFFFFFC0, v52  }
0x74: {  	v3 =	vor.u32 v3, v4  }
0x75: {  	v4 =	vperm.xlane v3, v0;
	_ =	sdelay $0x1  }
0x76: {  	v4 =	vadd.s32 v1, v4;
	_ =	sdelay $0x4  }
0x77: {  	[tilespmem:s24], [sflag:$0x1] =	stream.indirect_vreg.gather [hbm4b:s3+s1], $0x80, v4, vm0, $0xb8;
	[tilespmem:$0x10200] =	vst v63  }
0x78: {  	s14 =	simm.s32 $0xA00;
	v3 =	vperm.xlane v3, v2  }
0x79: {  	[tilespmem:s14], [sflag:$0x1] =	stream.indirect_vreg.gather [hbm4b:s5+s1], $0x80, v4, vm0, $0xb8;
	[tilespmem:$0x10200] =	vst v63  }
0x7a: {  	s2 =	simm.s32 $0x1200;
	v3 =	vadd.s32 v1, v3  }
0x7b: {  	[tilespmem:s2], [sflag:$0x1] =	stream.indirect_vreg.gather [hbm4b:s6+s1], $0x80, v4, vm0, $0xb8;
	[tilespmem:$0x10200] =	vst v63  }
0x7c: {  	s4 =	simm.s32 $0x1A00  }
0x7d: {  	[tilespmem:s4], [sflag:$0x1] =	stream.indirect_vreg.gather [hbm4b:s7+s1], $0x80, v4, vm0, $0xb8;
	[tilespmem:$0x10200] =	vst v63  }
0x7e: {  	s10 =	simm.s32 $0x2200  }
0x7f: {  	[tilespmem:s10], [sflag:$0x1] =	stream.indirect_vreg.gather [hbm4b:s3+s1], $0x80, v3, vm0, $0xb8;
	[tilespmem:$0x10200] =	vst v63  }
0x80: {  	s11 =	simm.s32 $0x2A00  }
0x81: {  	[tilespmem:s11], [sflag:$0x1] =	stream.indirect_vreg.gather [hbm4b:s5+s1], $0x80, v3, vm0, $0xb8;
	[tilespmem:$0x10200] =	vst v63  }
0x82: {  	s12 =	simm.s32 $0x3200  }
0x83: {  	[tilespmem:s12], [sflag:$0x1] =	stream.indirect_vreg.gather [hbm4b:s6+s1], $0x80, v3, vm0, $0xb8;
	[tilespmem:$0x10200] =	vst v63  }
0x84: {  	s15 =	simm.s32 $0x3A00  }
0x85: {  	[tilespmem:s15], [sflag:$0x1] =	stream.indirect_vreg.gather [hbm4b:s7+s1], $0x80, v3, vm0, $0xb8;
	[tilespmem:$0x10200] =	vst v63  }
0x86: {  	v3 =	vld [tilespmem:$0x90];
	_ =	sdelay $0x4  }
0x87: {  	v53 =	vshll.u32 v3, $0x3  }
0x88: {  	v3 =	vand.u32 $0x7, v3;
	v4 =	vand.u32 $0xFFFFFFC0, v53  }
0x89: {  	v3 =	vor.u32 v3, v4  }
0x8a: {  	v4 =	vperm.xlane v3, v0;
	_ =	sdelay $0x1  }
0x8b: {  	v4 =	vadd.s32 v1, v4;
	_ =	sdelay $0x3  }
0x8c: {  	s16 =	simm.s32 $0x4200  }
0x8d: {  	[tilespmem:s16], [sflag:$0x1] =	stream.indirect_vreg.gather [hbm4b:s3+s1], $0x80, v4, vm0, $0xb8;
	[tilespmem:$0x10200] =	vst v63  }
0x8e: {  	s17 =	simm.s32 $0x4A00;
	v3 =	vperm.xlane v3, v2  }
0x8f: {  	[tilespmem:s17], [sflag:$0x1] =	stream.indirect_vreg.gather [hbm4b:s5+s1], $0x80, v4, vm0, $0xb8;
	[tilespmem:$0x10200] =	vst v63  }
0x90: {  	v3 =	vadd.s32 v1, v3;
	s17 =	simm.s32 $0x5200  }
0x91: {  	[tilespmem:s17], [sflag:$0x1] =	stream.indirect_vreg.gather [hbm4b:s6+s1], $0x80, v4, vm0, $0xb8;
	[tilespmem:$0x10200] =	vst v63  }
0x92: {  	s0 =	simm.s32 $0x5A00  }
0x93: {  	[tilespmem:s0], [sflag:$0x1] =	stream.indirect_vreg.gather [hbm4b:s7+s1], $0x80, v4, vm0, $0xb8;
	[tilespmem:$0x10200] =	vst v63  }
0x94: {  	s2 =	simm.s32 $0x6200  }
0x95: {  	[tilespmem:s2], [sflag:$0x1] =	stream.indirect_vreg.gather [hbm4b:s3+s1], $0x80, v3, vm0, $0xb8;
	[tilespmem:$0x10200] =	vst v63  }
0x96: {  	s4 =	simm.s32 $0x6A00  }
0x97: {  	[tilespmem:s4], [sflag:$0x1] =	stream.indirect_vreg.gather [hbm4b:s5+s1], $0x80, v3, vm0, $0xb8;
	[tilespmem:$0x10200] =	vst v63  }
0x98: {  	s10 =	simm.s32 $0x7200  }
0x99: {  	[tilespmem:s10], [sflag:$0x1] =	stream.indirect_vreg.gather [hbm4b:s6+s1], $0x80, v3, vm0, $0xb8;
	[tilespmem:$0x10200] =	vst v63  }
0x9a: {  	s13 =	simm.s32 $0x7A00  }
0x9b: {  	[tilespmem:s13], [sflag:$0x1] =	stream.indirect_vreg.gather [hbm4b:s7+s1], $0x80, v3, vm0, $0xb8;
	[tilespmem:$0x10200] =	vst v63  }
0x9c: {  	v3 =	vld [tilespmem:$0xA0];
	_ =	sdelay $0x4  }
0x9d: {  	v54 =	vshll.u32 v3, $0x3  }
0x9e: {  	v3 =	vand.u32 $0x7, v3;
	v4 =	vand.u32 $0xFFFFFFC0, v54  }
0x9f: {  	v3 =	vor.u32 v3, v4  }
0xa0: {  	v4 =	vperm.xlane v3, v0;
	_ =	sdelay $0x1  }
0xa1: {  	v4 =	vadd.s32 v1, v4;
	_ =	sdelay $0x3  }
0xa2: {  	s14 =	simm.s32 $0x8200  }
0xa3: {  	[tilespmem:s14], [sflag:$0x1] =	stream.indirect_vreg.gather [hbm4b:s3+s1], $0x80, v4, vm0, $0xb8;
	[tilespmem:$0x10200] =	vst v63  }
0xa4: {  	s15 =	simm.s32 $0x8A00;
	v3 =	vperm.xlane v3, v2  }
0xa5: {  	[tilespmem:s15], [sflag:$0x1] =	stream.indirect_vreg.gather [hbm4b:s5+s1], $0x80, v4, vm0, $0xb8;
	[tilespmem:$0x10200] =	vst v63  }
0xa6: {  	s11 =	simm.s32 $0x9200;
	v3 =	vadd.s32 v1, v3  }
0xa7: {  	[tilespmem:s11], [sflag:$0x1] =	stream.indirect_vreg.gather [hbm4b:s6+s1], $0x80, v4, vm0, $0xb8;
	[tilespmem:$0x10200] =	vst v63  }
0xa8: {  	s12 =	simm.s32 $0x9A00  }
0xa9: {  	[tilespmem:s12], [sflag:$0x1] =	stream.indirect_vreg.gather [hbm4b:s7+s1], $0x80, v4, vm0, $0xb8;
	[tilespmem:$0x10200] =	vst v63  }
0xaa: {  	s13 =	simm.s32 $0xA200  }
0xab: {  	[tilespmem:s13], [sflag:$0x1] =	stream.indirect_vreg.gather [hbm4b:s3+s1], $0x80, v3, vm0, $0xb8;
	[tilespmem:$0x10200] =	vst v63  }
0xac: {  	s31 =	simm.s32 $0xAA00  }
0xad: {  	[tilespmem:s31], [sflag:$0x1] =	stream.indirect_vreg.gather [hbm4b:s5+s1], $0x80, v3, vm0, $0xb8;
	[tilespmem:$0x10200] =	vst v63  }
0xae: {  	s31 =	simm.s32 $0xB200  }
0xaf: {  	[tilespmem:s31], [sflag:$0x1] =	stream.indirect_vreg.gather [hbm4b:s6+s1], $0x80, v3, vm0, $0xb8;
	[tilespmem:$0x10200] =	vst v63  }
0xb0: {  	s21 =	simm.s32 $0xBA00  }
0xb1: {  	[tilespmem:s21], [sflag:$0x1] =	stream.indirect_vreg.gather [hbm4b:s7+s1], $0x80, v3, vm0, $0xb8;
	[tilespmem:$0x10200] =	vst v63  }
0xb2: {  	v3 =	vld [tilespmem:$0xB0];
	_ =	sdelay $0x4  }
0xb3: {  	v55 =	vshll.u32 v3, $0x3  }
0xb4: {  	v3 =	vand.u32 $0x7, v3;
	v4 =	vand.u32 $0xFFFFFFC0, v55  }
0xb5: {  	v3 =	vor.u32 v3, v4  }
0xb6: {  	v4 =	vperm.xlane v3, v0;
	_ =	sdelay $0x1  }
0xb7: {  	v4 =	vadd.s32 v1, v4;
	_ =	sdelay $0x3  }
0xb8: {  	s22 =	simm.s32 $0xC200  }
0xb9: {  	[tilespmem:s22], [sflag:$0x1] =	stream.indirect_vreg.gather [hbm4b:s3+s1], $0x80, v4, vm0, $0xb8;
	[tilespmem:$0x10200] =	vst v63  }
0xba: {  	s23 =	simm.s32 $0xCA00;
	v3 =	vperm.xlane v3, v2  }
0xbb: {  	[tilespmem:s23], [sflag:$0x1] =	stream.indirect_vreg.gather [hbm4b:s5+s1], $0x80, v4, vm0, $0xb8;
	[tilespmem:$0x10200] =	vst v63  }
0xbc: {  	s25 =	simm.s32 $0xD200;
	v3 =	vadd.s32 v1, v3  }
0xbd: {  	[tilespmem:s25], [sflag:$0x1] =	stream.indirect_vreg.gather [hbm4b:s6+s1], $0x80, v4, vm0, $0xb8;
	[tilespmem:$0x10200] =	vst v63  }
0xbe: {  	s26 =	simm.s32 $0xDA00  }
0xbf: {  	[tilespmem:s26], [sflag:$0x1] =	stream.indirect_vreg.gather [hbm4b:s7+s1], $0x80, v4, vm0, $0xb8;
	[tilespmem:$0x10200] =	vst v63  }
0xc0: {  	s28 =	simm.s32 $0xE200  }
0xc1: {  	[tilespmem:s28], [sflag:$0x1] =	stream.indirect_vreg.gather [hbm4b:s3+s1], $0x80, v3, vm0, $0xb8;
	[tilespmem:$0x10200] =	vst v63  }
0xc2: {  	s29 =	simm.s32 $0xEA00  }
0xc3: {  	[tilespmem:s29], [sflag:$0x1] =	stream.indirect_vreg.gather [hbm4b:s5+s1], $0x80, v3, vm0, $0xb8;
	[tilespmem:$0x10200] =	vst v63  }
0xc4: {  	s30 =	simm.s32 $0xF200  }
0xc5: {  	[tilespmem:s30], [sflag:$0x1] =	stream.indirect_vreg.gather [hbm4b:s6+s1], $0x80, v3, vm0, $0xb8;
	[tilespmem:$0x10200] =	vst v63  }
0xc6: {  	s18 =	simm.s32 $0xFA00  }
0xc7: {  	[tilespmem:s18], [sflag:$0x1] =	stream.indirect_vreg.gather [hbm4b:s7+s1], $0x80, v3, vm0, $0xb8;
	[tilespmem:$0x10200] =	vst v63  }
0xc8: {  	_ =	swait.ge [sflag:s19], $0x10000  }
0xc9: {  	[sflag:s19] =	ssyncset.done $0x0  }
0xca: {  	s18 =	rddreg [dreg:$0x4];
	[sflag:s19] =	ssyncadd.s32 $0xFFFF0000  }
0xcb: {  	[hbm4b:s18+s1] =	stream.linear.scatter [tilespmem:s24], [sflag:$0x2], $0x10000, $0x38;
	[tilespmem:$0x10200] =	vst v63  }
0xcc: {  	_ =	swait.ge [sflag:s9], $0x10000  }
0xcd: {  	[sflag:s9] =	ssyncset.done $0x0  }
0xce: {  	[sflag:s9] =	ssyncadd.s32 $0xFFFF0000  }
0xcf: {  	v3 =	vld [tilespmem:$0x100];
	_ =	sdelay $0x4  }
0xd0: {  	v56 =	vshll.u32 v3, $0x3  }
0xd1: {  	v3 =	vand.u32 $0x7, v3;
	v4 =	vand.u32 $0xFFFFFFC0, v56  }
0xd2: {  	v3 =	vor.u32 v3, v4  }
0xd3: {  	v4 =	vperm.xlane v3, v0;
	_ =	sdelay $0x1  }
0xd4: {  	v4 =	vadd.s32 v1, v4;
	_ =	sdelay $0x4  }
0xd5: {  	[tilespmem:s24], [sflag:$0x1] =	stream.indirect_vreg.gather [hbm4b:s3+s1], $0x80, v4, vm0, $0xb8;
	[tilespmem:$0x10200] =	vst v63  }
0xd6: {  	s20 =	simm.s32 $0xA00;
	v3 =	vperm.xlane v3, v2  }
0xd7: {  	[tilespmem:s20], [sflag:$0x1] =	stream.indirect_vreg.gather [hbm4b:s5+s1], $0x80, v4, vm0, $0xb8;
	[tilespmem:$0x10200] =	vst v63  }
0xd8: {  	s21 =	simm.s32 $0x1200;
	v3 =	vadd.s32 v1, v3  }
0xd9: {  	[tilespmem:s21], [sflag:$0x1] =	stream.indirect_vreg.gather [hbm4b:s6+s1], $0x80, v4, vm0, $0xb8;
	[tilespmem:$0x10200] =	vst v63  }
0xda: {  	s22 =	simm.s32 $0x1A00  }
0xdb: {  	[tilespmem:s22], [sflag:$0x1] =	stream.indirect_vreg.gather [hbm4b:s7+s1], $0x80, v4, vm0, $0xb8;
	[tilespmem:$0x10200] =	vst v63  }
0xdc: {  	s29 =	simm.s32 $0x2200  }
0xdd: {  	[tilespmem:s29], [sflag:$0x1] =	stream.indirect_vreg.gather [hbm4b:s3+s1], $0x80, v3, vm0, $0xb8;
	[tilespmem:$0x10200] =	vst v63  }
0xde: {  	s20 =	simm.s32 $0x2A00  }
0xdf: {  	[tilespmem:s20], [sflag:$0x1] =	stream.indirect_vreg.gather [hbm4b:s5+s1], $0x80, v3, vm0, $0xb8;
	[tilespmem:$0x10200] =	vst v63  }
0xe0: {  	s29 =	simm.s32 $0x3200  }
0xe1: {  	[tilespmem:s29], [sflag:$0x1] =	stream.indirect_vreg.gather [hbm4b:s6+s1], $0x80, v3, vm0, $0xb8;
	[tilespmem:$0x10200] =	vst v63  }
0xe2: {  	s20 =	simm.s32 $0x3A00  }
0xe3: {  	[tilespmem:s20], [sflag:$0x1] =	stream.indirect_vreg.gather [hbm4b:s7+s1], $0x80, v3, vm0, $0xb8;
	[tilespmem:$0x10200] =	vst v63  }
0xe4: {  	v3 =	vld [tilespmem:$0x110];
	_ =	sdelay $0x4  }
0xe5: {  	v57 =	vshll.u32 v3, $0x3  }
0xe6: {  	v3 =	vand.u32 $0x7, v3;
	v4 =	vand.u32 $0xFFFFFFC0, v57  }
0xe7: {  	v3 =	vor.u32 v3, v4  }
0xe8: {  	v4 =	vperm.xlane v3, v0;
	_ =	sdelay $0x1  }
0xe9: {  	v4 =	vadd.s32 v1, v4;
	_ =	sdelay $0x4  }
0xea: {  	[tilespmem:s16], [sflag:$0x1] =	stream.indirect_vreg.gather [hbm4b:s3+s1], $0x80, v4, vm0, $0xb8;
	[tilespmem:$0x10200] =	vst v63  }
0xeb: {  	s29 =	simm.s32 $0x4A00;
	v3 =	vperm.xlane v3, v2  }
0xec: {  	[tilespmem:s29], [sflag:$0x1] =	stream.indirect_vreg.gather [hbm4b:s5+s1], $0x80, v4, vm0, $0xb8;
	[tilespmem:$0x10200] =	vst v63  }
0xed: {  	v3 =	vadd.s32 v1, v3  }
0xee: {  	[tilespmem:s17], [sflag:$0x1] =	stream.indirect_vreg.gather [hbm4b:s6+s1], $0x80, v4, vm0, $0xb8;
	[tilespmem:$0x10200] =	vst v63  }
0xef: {  	_ = 	snop  }
0xf0: {  	[tilespmem:s0], [sflag:$0x1] =	stream.indirect_vreg.gather [hbm4b:s7+s1], $0x80, v4, vm0, $0xb8;
	[tilespmem:$0x10200] =	vst v63  }
0xf1: {  	_ = 	snop  }
0xf2: {  	[tilespmem:s2], [sflag:$0x1] =	stream.indirect_vreg.gather [hbm4b:s3+s1], $0x80, v3, vm0, $0xb8;
	[tilespmem:$0x10200] =	vst v63  }
0xf3: {  	_ = 	snop  }
0xf4: {  	[tilespmem:s4], [sflag:$0x1] =	stream.indirect_vreg.gather [hbm4b:s5+s1], $0x80, v3, vm0, $0xb8;
	[tilespmem:$0x10200] =	vst v63  }
0xf5: {  	_ = 	snop  }
0xf6: {  	[tilespmem:s10], [sflag:$0x1] =	stream.indirect_vreg.gather [hbm4b:s6+s1], $0x80, v3, vm0, $0xb8;
	[tilespmem:$0x10200] =	vst v63  }
0xf7: {  	s20 =	simm.s32 $0x7A00  }
0xf8: {  	[tilespmem:s20], [sflag:$0x1] =	stream.indirect_vreg.gather [hbm4b:s7+s1], $0x80, v3, vm0, $0xb8;
	[tilespmem:$0x10200] =	vst v63  }
0xf9: {  	v3 =	vld [tilespmem:$0x120];
	_ =	sdelay $0x4  }
0xfa: {  	v58 =	vshll.u32 v3, $0x3  }
0xfb: {  	v3 =	vand.u32 $0x7, v3;
	v4 =	vand.u32 $0xFFFFFFC0, v58  }
0xfc: {  	v3 =	vor.u32 v3, v4  }
0xfd: {  	v4 =	vperm.xlane v3, v0;
	_ =	sdelay $0x1  }
0xfe: {  	v4 =	vadd.s32 v1, v4;
	_ =	sdelay $0x4  }
0xff: {  	[tilespmem:s14], [sflag:$0x1] =	stream.indirect_vreg.gather [hbm4b:s3+s1], $0x80, v4, vm0, $0xb8;
	[tilespmem:$0x10200] =	vst v63  }
0x100: {  	v3 =	vperm.xlane v3, v2  }
0x101: {  	[tilespmem:s15], [sflag:$0x1] =	stream.indirect_vreg.gather [hbm4b:s5+s1], $0x80, v4, vm0, $0xb8;
	[tilespmem:$0x10200] =	vst v63  }
0x102: {  	v3 =	vadd.s32 v1, v3  }
0x103: {  	[tilespmem:s11], [sflag:$0x1] =	stream.indirect_vreg.gather [hbm4b:s6+s1], $0x80, v4, vm0, $0xb8;
	[tilespmem:$0x10200] =	vst v63  }
0x104: {  	_ = 	snop  }
0x105: {  	[tilespmem:s12], [sflag:$0x1] =	stream.indirect_vreg.gather [hbm4b:s7+s1], $0x80, v4, vm0, $0xb8;
	[tilespmem:$0x10200] =	vst v63  }
0x106: {  	_ = 	snop  }
0x107: {  	[tilespmem:s13], [sflag:$0x1] =	stream.indirect_vreg.gather [hbm4b:s3+s1], $0x80, v3, vm0, $0xb8;
	[tilespmem:$0x10200] =	vst v63  }
0x108: {  	s29 =	simm.s32 $0xAA00  }
0x109: {  	[tilespmem:s29], [sflag:$0x1] =	stream.indirect_vreg.gather [hbm4b:s5+s1], $0x80, v3, vm0, $0xb8;
	[tilespmem:$0x10200] =	vst v63  }
0x10a: {  	s31 =	simm.s32 $0xB200  }
0x10b: {  	[tilespmem:s31], [sflag:$0x1] =	stream.indirect_vreg.gather [hbm4b:s6+s1], $0x80, v3, vm0, $0xb8;
	[tilespmem:$0x10200] =	vst v63  }
0x10c: {  	s31 =	simm.s32 $0xBA00  }
0x10d: {  	[tilespmem:s31], [sflag:$0x1] =	stream.indirect_vreg.gather [hbm4b:s7+s1], $0x80, v3, vm0, $0xb8;
	[tilespmem:$0x10200] =	vst v63  }
0x10e: {  	v3 =	vld [tilespmem:$0x130];
	_ =	sdelay $0x4  }
0x10f: {  	v59 =	vshll.u32 v3, $0x3  }
0x110: {  	v3 =	vand.u32 $0x7, v3;
	v4 =	vand.u32 $0xFFFFFFC0, v59  }
0x111: {  	v3 =	vor.u32 v3, v4  }
0x112: {  	v4 =	vperm.xlane v3, v0;
	_ =	sdelay $0x1  }
0x113: {  	v4 =	vadd.s32 v1, v4;
	_ =	sdelay $0x3  }
0x114: {  	s20 =	simm.s32 $0xC200  }
0x115: {  	[tilespmem:s20], [sflag:$0x1] =	stream.indirect_vreg.gather [hbm4b:s3+s1], $0x80, v4, vm0, $0xb8;
	[tilespmem:$0x10200] =	vst v63  }
0x116: {  	v3 =	vperm.xlane v3, v2;
	s20 =	simm.s32 $0xCA00  }
0x117: {  	[tilespmem:s20], [sflag:$0x1] =	stream.indirect_vreg.gather [hbm4b:s5+s1], $0x80, v4, vm0, $0xb8;
	[tilespmem:$0x10200] =	vst v63  }
0x118: {  	s25 =	simm.s32 $0xD200;
	v3 =	vadd.s32 v1, v3  }
0x119: {  	[tilespmem:s25], [sflag:$0x1] =	stream.indirect_vreg.gather [hbm4b:s6+s1], $0x80, v4, vm0, $0xb8;
	[tilespmem:$0x10200] =	vst v63  }
0x11a: {  	s26 =	simm.s32 $0xDA00  }
0x11b: {  	[tilespmem:s26], [sflag:$0x1] =	stream.indirect_vreg.gather [hbm4b:s7+s1], $0x80, v4, vm0, $0xb8;
	[tilespmem:$0x10200] =	vst v63  }
0x11c: {  	s28 =	simm.s32 $0xE200  }
0x11d: {  	[tilespmem:s28], [sflag:$0x1] =	stream.indirect_vreg.gather [hbm4b:s3+s1], $0x80, v3, vm0, $0xb8;
	[tilespmem:$0x10200] =	vst v63  }
0x11e: {  	s20 =	simm.s32 $0xEA00  }
0x11f: {  	[tilespmem:s20], [sflag:$0x1] =	stream.indirect_vreg.gather [hbm4b:s5+s1], $0x80, v3, vm0, $0xb8;
	[tilespmem:$0x10200] =	vst v63  }
0x120: {  	s23 =	simm.s32 $0xF200  }
0x121: {  	[tilespmem:s23], [sflag:$0x1] =	stream.indirect_vreg.gather [hbm4b:s6+s1], $0x80, v3, vm0, $0xb8;
	[tilespmem:$0x10200] =	vst v63  }
0x122: {  	s20 =	simm.s32 $0xFA00  }
0x123: {  	[tilespmem:s20], [sflag:$0x1] =	stream.indirect_vreg.gather [hbm4b:s7+s1], $0x80, v3, vm0, $0xb8;
	[tilespmem:$0x10200] =	vst v63  }
0x124: {  	_ =	swait.ge [sflag:s19], $0x10000  }
0x125: {  	[sflag:s19] =	ssyncset.done $0x0  }
0x126: {  	s20 =	rddreg [dreg:$0x5];
	[sflag:s19] =	ssyncadd.s32 $0xFFFF0000  }
0x127: {  	[hbm4b:s20+s1] =	stream.linear.scatter [tilespmem:s24], [sflag:$0x2], $0x10000, $0x38;
	[tilespmem:$0x10200] =	vst v63  }
0x128: {  	_ =	swait.ge [sflag:s9], $0x10000  }
0x129: {  	[sflag:s9] =	ssyncset.done $0x0  }
0x12a: {  	[sflag:s9] =	ssyncadd.s32 $0xFFFF0000  }
0x12b: {  	v3 =	vld [tilespmem:$0x180];
	_ =	sdelay $0x4  }
0x12c: {  	v60 =	vshll.u32 v3, $0x3  }
0x12d: {  	v3 =	vand.u32 $0x7, v3;
	v4 =	vand.u32 $0xFFFFFFC0, v60  }
0x12e: {  	v3 =	vor.u32 v3, v4  }
0x12f: {  	v4 =	vperm.xlane v3, v0;
	_ =	sdelay $0x1  }
0x130: {  	v4 =	vadd.s32 v1, v4;
	_ =	sdelay $0x4  }
0x131: {  	[tilespmem:s24], [sflag:$0x1] =	stream.indirect_vreg.gather [hbm4b:s3+s1], $0x80, v4, vm0, $0xb8;
	[tilespmem:$0x10200] =	vst v63  }
0x132: {  	s20 =	simm.s32 $0xA00;
	v3 =	vperm.xlane v3, v2  }
0x133: {  	[tilespmem:s20], [sflag:$0x1] =	stream.indirect_vreg.gather [hbm4b:s5+s1], $0x80, v4, vm0, $0xb8;
	[tilespmem:$0x10200] =	vst v63  }
0x134: {  	s30 =	simm.s32 $0x1200;
	v3 =	vadd.s32 v1, v3  }
0x135: {  	[tilespmem:s30], [sflag:$0x1] =	stream.indirect_vreg.gather [hbm4b:s6+s1], $0x80, v4, vm0, $0xb8;
	[tilespmem:$0x10200] =	vst v63  }
0x136: {  	s21 =	simm.s32 $0x1A00  }
0x137: {  	[tilespmem:s21], [sflag:$0x1] =	stream.indirect_vreg.gather [hbm4b:s7+s1], $0x80, v4, vm0, $0xb8;
	[tilespmem:$0x10200] =	vst v63  }
0x138: {  	s22 =	simm.s32 $0x2200  }
0x139: {  	[tilespmem:s22], [sflag:$0x1] =	stream.indirect_vreg.gather [hbm4b:s3+s1], $0x80, v3, vm0, $0xb8;
	[tilespmem:$0x10200] =	vst v63  }
0x13a: {  	s30 =	simm.s32 $0x2A00  }
0x13b: {  	[tilespmem:s30], [sflag:$0x1] =	stream.indirect_vreg.gather [hbm4b:s5+s1], $0x80, v3, vm0, $0xb8;
	[tilespmem:$0x10200] =	vst v63  }
0x13c: {  	s21 =	simm.s32 $0x3200  }
0x13d: {  	[tilespmem:s21], [sflag:$0x1] =	stream.indirect_vreg.gather [hbm4b:s6+s1], $0x80, v3, vm0, $0xb8;
	[tilespmem:$0x10200] =	vst v63  }
0x13e: {  	s22 =	simm.s32 $0x3A00  }
0x13f: {  	[tilespmem:s22], [sflag:$0x1] =	stream.indirect_vreg.gather [hbm4b:s7+s1], $0x80, v3, vm0, $0xb8;
	[tilespmem:$0x10200] =	vst v63  }
0x140: {  	v3 =	vld [tilespmem:$0x190];
	_ =	sdelay $0x4  }
0x141: {  	v61 =	vshll.u32 v3, $0x3  }
0x142: {  	v3 =	vand.u32 $0x7, v3;
	v4 =	vand.u32 $0xFFFFFFC0, v61  }
0x143: {  	v3 =	vor.u32 v3, v4  }
0x144: {  	v4 =	vperm.xlane v3, v0;
	_ =	sdelay $0x1  }
0x145: {  	v4 =	vadd.s32 v1, v4;
	_ =	sdelay $0x3  }
0x146: {  	s16 =	simm.s32 $0x4200  }
0x147: {  	[tilespmem:s16], [sflag:$0x1] =	stream.indirect_vreg.gather [hbm4b:s3+s1], $0x80, v4, vm0, $0xb8;
	[tilespmem:$0x10200] =	vst v63  }
0x148: {  	s30 =	simm.s32 $0x4A00;
	v3 =	vperm.xlane v3, v2  }
0x149: {  	[tilespmem:s30], [sflag:$0x1] =	stream.indirect_vreg.gather [hbm4b:s5+s1], $0x80, v4, vm0, $0xb8;
	[tilespmem:$0x10200] =	vst v63  }
0x14a: {  	s17 =	simm.s32 $0x5200;
	v3 =	vadd.s32 v1, v3  }
0x14b: {  	[tilespmem:s17], [sflag:$0x1] =	stream.indirect_vreg.gather [hbm4b:s6+s1], $0x80, v4, vm0, $0xb8;
	[tilespmem:$0x10200] =	vst v63  }
0x14c: {  	s0 =	simm.s32 $0x5A00  }
0x14d: {  	[tilespmem:s0], [sflag:$0x1] =	stream.indirect_vreg.gather [hbm4b:s7+s1], $0x80, v4, vm0, $0xb8;
	[tilespmem:$0x10200] =	vst v63  }
0x14e: {  	s2 =	simm.s32 $0x6200  }
0x14f: {  	[tilespmem:s2], [sflag:$0x1] =	stream.indirect_vreg.gather [hbm4b:s3+s1], $0x80, v3, vm0, $0xb8;
	[tilespmem:$0x10200] =	vst v63  }
0x150: {  	s4 =	simm.s32 $0x6A00  }
0x151: {  	[tilespmem:s4], [sflag:$0x1] =	stream.indirect_vreg.gather [hbm4b:s5+s1], $0x80, v3, vm0, $0xb8;
	[tilespmem:$0x10200] =	vst v63  }
0x152: {  	s10 =	simm.s32 $0x7200  }
0x153: {  	[tilespmem:s10], [sflag:$0x1] =	stream.indirect_vreg.gather [hbm4b:s6+s1], $0x80, v3, vm0, $0xb8;
	[tilespmem:$0x10200] =	vst v63  }
0x154: {  	s20 =	simm.s32 $0x7A00  }
0x155: {  	[tilespmem:s20], [sflag:$0x1] =	stream.indirect_vreg.gather [hbm4b:s7+s1], $0x80, v3, vm0, $0xb8;
	[tilespmem:$0x10200] =	vst v63  }
0x156: {  	v3 =	vld [tilespmem:$0x1A0];
	_ =	sdelay $0x4  }
0x157: {  	v62 =	vshll.u32 v3, $0x3  }
0x158: {  	v3 =	vand.u32 $0x7, v3;
	v4 =	vand.u32 $0xFFFFFFC0, v62  }
0x159: {  	v3 =	vor.u32 v3, v4  }
0x15a: {  	v4 =	vperm.xlane v3, v0;
	_ =	sdelay $0x1  }
0x15b: {  	v4 =	vadd.s32 v1, v4;
	_ =	sdelay $0x3  }
0x15c: {  	s14 =	simm.s32 $0x8200  }
0x15d: {  	[tilespmem:s14], [sflag:$0x1] =	stream.indirect_vreg.gather [hbm4b:s3+s1], $0x80, v4, vm0, $0xb8;
	[tilespmem:$0x10200] =	vst v63  }
0x15e: {  	s15 =	simm.s32 $0x8A00;
	v3 =	vperm.xlane v3, v2  }
0x15f: {  	[tilespmem:s15], [sflag:$0x1] =	stream.indirect_vreg.gather [hbm4b:s5+s1], $0x80, v4, vm0, $0xb8;
	[tilespmem:$0x10200] =	vst v63  }
0x160: {  	s11 =	simm.s32 $0x9200;
	v3 =	vadd.s32 v1, v3  }
0x161: {  	[tilespmem:s11], [sflag:$0x1] =	stream.indirect_vreg.gather [hbm4b:s6+s1], $0x80, v4, vm0, $0xb8;
	[tilespmem:$0x10200] =	vst v63  }
0x162: {  	s12 =	simm.s32 $0x9A00  }
0x163: {  	[tilespmem:s12], [sflag:$0x1] =	stream.indirect_vreg.gather [hbm4b:s7+s1], $0x80, v4, vm0, $0xb8;
	[tilespmem:$0x10200] =	vst v63  }
0x164: {  	s13 =	simm.s32 $0xA200  }
0x165: {  	[tilespmem:s13], [sflag:$0x1] =	stream.indirect_vreg.gather [hbm4b:s3+s1], $0x80, v3, vm0, $0xb8;
	[tilespmem:$0x10200] =	vst v63  }
0x166: {  	s29 =	simm.s32 $0xAA00  }
0x167: {  	[tilespmem:s29], [sflag:$0x1] =	stream.indirect_vreg.gather [hbm4b:s5+s1], $0x80, v3, vm0, $0xb8;
	[tilespmem:$0x10200] =	vst v63  }
0x168: {  	s18 =	simm.s32 $0xB200  }
0x169: {  	[tilespmem:s18], [sflag:$0x1] =	stream.indirect_vreg.gather [hbm4b:s6+s1], $0x80, v3, vm0, $0xb8;
	[tilespmem:$0x10200] =	vst v63  }
0x16a: {  	s31 =	simm.s32 $0xBA00  }
0x16b: {  	[tilespmem:s31], [sflag:$0x1] =	stream.indirect_vreg.gather [hbm4b:s7+s1], $0x80, v3, vm0, $0xb8;
	[tilespmem:$0x10200] =	vst v63  }
0x16c: {  	v3 =	vld [tilespmem:$0x1B0];
	_ =	sdelay $0x4  }
0x16d: {  	v63 =	vshll.u32 v3, $0x3  }
0x16e: {  	v3 =	vand.u32 $0x7, v3;
	v4 =	vand.u32 $0xFFFFFFC0, v63  }
0x16f: {  	v3 =	vor.u32 v3, v4  }
0x170: {  	v4 =	vperm.xlane v3, v0;
	_ =	sdelay $0x1  }
0x171: {  	v4 =	vadd.s32 v1, v4;
	_ =	sdelay $0x3  }
0x172: {  	s21 =	simm.s32 $0xC200  }
0x173: {  	[tilespmem:s21], [sflag:$0x1] =	stream.indirect_vreg.gather [hbm4b:s3+s1], $0x80, v4, vm0, $0xb8;
	[tilespmem:$0x10200] =	vst v63  }
0x174: {  	s22 =	simm.s32 $0xCA00;
	v3 =	vperm.xlane v3, v2  }
0x175: {  	[tilespmem:s22], [sflag:$0x1] =	stream.indirect_vreg.gather [hbm4b:s5+s1], $0x80, v4, vm0, $0xb8;
	[tilespmem:$0x10200] =	vst v63  }
0x176: {  	s25 =	simm.s32 $0xD200;
	v3 =	vadd.s32 v1, v3  }
0x177: {  	[tilespmem:s25], [sflag:$0x1] =	stream.indirect_vreg.gather [hbm4b:s6+s1], $0x80, v4, vm0, $0xb8;
	[tilespmem:$0x10200] =	vst v63  }
0x178: {  	s26 =	simm.s32 $0xDA00  }
0x179: {  	[tilespmem:s26], [sflag:$0x1] =	stream.indirect_vreg.gather [hbm4b:s7+s1], $0x80, v4, vm0, $0xb8;
	[tilespmem:$0x10200] =	vst v63  }
0x17a: {  	s28 =	simm.s32 $0xE200  }
0x17b: {  	[tilespmem:s28], [sflag:$0x1] =	stream.indirect_vreg.gather [hbm4b:s3+s1], $0x80, v3, vm0, $0xb8;
	[tilespmem:$0x10200] =	vst v63  }
0x17c: {  	s29 =	simm.s32 $0xEA00  }
0x17d: {  	[tilespmem:s29], [sflag:$0x1] =	stream.indirect_vreg.gather [hbm4b:s5+s1], $0x80, v3, vm0, $0xb8;
	[tilespmem:$0x10200] =	vst v63  }
0x17e: {  	s23 =	simm.s32 $0xF200  }
0x17f: {  	[tilespmem:s23], [sflag:$0x1] =	stream.indirect_vreg.gather [hbm4b:s6+s1], $0x80, v3, vm0, $0xb8;
	[tilespmem:$0x10200] =	vst v63  }
0x180: {  	s30 =	simm.s32 $0xFA00  }
0x181: {  	[tilespmem:s30], [sflag:$0x1] =	stream.indirect_vreg.gather [hbm4b:s7+s1], $0x80, v3, vm0, $0xb8;
	[tilespmem:$0x10200] =	vst v63  }
0x182: {  	_ =	swait.ge [sflag:s19], $0x10000  }
0x183: {  	p0 =	sne.s32 s8, $0x1;
	[sflag:s19] =	ssyncset.done $0x0  }
.Ltmp0:
0x184: {  	s31 =	rddreg [dreg:$0x6];
	[sflag:s19] =	ssyncadd.s32 $0xFFFF0000;
	(pc) =	sbr.rel @p0 .LBB2_1-.Ltmp0, $4  }
0x185: {  	[hbm4b:s31+s1] =	stream.linear.scatter [tilespmem:s24], [sflag:$0x2], $0x10000, $0x38;
	[tilespmem:$0x10200] =	vst v63  }
0x186: {  	_ =	swait.ge [sflag:s9], $0x10000  }
0x187: {  	[sflag:s9] =	ssyncset.done $0x0  }
0x188: {  	s8 =	sadd.s32 $0xFFFFFFFF, s8;
	[sflag:s9] =	ssyncadd.s32 $0xFFFF0000  }
0x189: {  	_ =	sfence.sel $0x180000  }
0x18a: {  	[bflag:$0x0] =	sbarrier.arrive $0xFFFF  }
0x18b: {  	_ =	strace $0x9000004A  }
0x18c: {  	s0 =	stileid.u32;
	[bflag:$0x2] =	sbarrier.arrive $0xFFFF  }
0x18d: {  	p0 =	sne.s32 s0, $0x0;
	s0 =	rddreg [dreg:$0x2]  }
0x18e: {  	s0 =	sadd.s32 @!p0 $0x100000, s0  }
0x18f: {  	[sflag:s0] =	ssyncadd.tile.s32 @!p0 $0x1;
	_ =	shalt  }
.Lfunc_end2:
_tile_overlayer_lowered:
.L_overlay_start_2:
0x190: {  	(tag) =	ssettag $0x2  }
0x191: {  	s0 =	rddreg [dreg:$0x0];
	s2 =	stileid.u32  }
0x192: {  	s1 =	rddreg [dreg:$0x1];
	p0 =	sne.s32 s2, $0x0  }
0x193: {  	s3 =	rddreg [dreg:$0x2];
	[bflag:$0x3] =	sbarrier.arrive $0xFFFF;
	s2 =	simm.s32 @!p0 $0x1C02  }
0x194: {  	[timem:s3], [sflag:s2] =	dma.local @!p0 [hbm:s0], s1  }
0x195: {  	s0 =	simm.s32 @!p0 $0x2  }
0x196: {  	_ =	swait.ge @!p0 [sflag:s0], s1  }
0x197: {  	s1 =	ssub.s32 @!p0 $0x0, s1;
	[sflag:s0] =	ssyncset.done @!p0 $0x0  }
0x198: {  	[sflag:s0] =	ssyncadd.s32 @!p0 s1  }
0x199: {  	[bflag:$0x3] =	sbarrier.arrive $0xFFFF  }
0x19a: {  	_ =	shalt  }

// kernel: kernel.7.cloned.1.call-start
scs
__scs_entry_jumppad:
0x0: {  	(pc) =	sbr.rel $0x88, $3  }
0x1: {  	(tag) =	ssettag $0x0;
	lr =	simm.s32 $0x1  }
0x2: {  	[smem:$0x3F9A] =	sst lr;
	_ =	strace $0xD0000000  }
0x3: {  	_ = 	snop  }
0x4: {  	_ = 	snop  }
0x5: {  	_ = 	snop  }
0x6: {  	_ = 	snop  }
0x7: {  	_ = 	snop  }
__scs_overlays_trampoline_lowered:
0x8: {  	[smem:$0x3FA9] =	sst s0  }
0x9: {  	[smem:$0x3FAA] =	sst s1  }
0xa: {  	[smem:$0x3FAB] =	sst s2  }
0xb: {  	[smem:$0x3FAC] =	sst s3  }
0xc: {  	[smem:$0x3FAD] =	sst s4  }
0xd: {  	[smem:$0x3FAE] =	sst s5  }
0xe: {  	[smem:$0x3FAF] =	sst s6  }
0xf: {  	[smem:$0x3FB0] =	sst s7  }
0x10: {  	[smem:$0x3FB1] =	sst s8  }
0x11: {  	[smem:$0x3FB2] =	sst s9;
	s0 =	simm.s32 @!p0 $0x0  }
0x12: {  	s1 =	sld [smem:$0x3F98];
	s0 =	simm.s32 @p0 $0x1  }
0x13: {  	[smem:$0x3FB3] =	sst s0;
	s0 =	simm.s32 @!p1 $0x0  }
0x14: {  	s2 =	sld [smem:$0x3F97];
	s0 =	simm.s32 @p1 $0x1  }
0x15: {  	[smem:$0x3FB4] =	sst s0;
	s0 =	simm.s32 @!p2 $0x0  }
0x16: {  	s3 =	sld [smem:$0x3FDB];
	s0 =	simm.s32 @p2 $0x1  }
0x17: {  	s4 =	simm.s32 $0x1BF5;
	[smem:$0x3FB6] =	sst s0  }
0x18: {  	s0 =	sld [smem:$0x3F99];
	_ =	swait.ge [sflag:s4], $0x0  }
0x19: {  	s7 =	sld [smem:$0x3F9A]  }
0x1a: {  	s8 =	sadd.s32 $0xFFFFE003, lr  }
0x1b: {  	s9 =	sadd.s32 $0xFFFFFEF7, lr;
	s5 =	simm.s32 $0xFFFFFFFF;
	p2 =	slt.u32 s8, $0xFFFFF086  }
0x1c: {  	p1 =	slt.u32 s9, $0xF7A;
	s5 =	simm.s32 @!p2 $0x0  }
0x1d: {  	s5 =	simm.s32 @p1 $0x1;
	p0 =	seq.s32 s7, s2  }
0x1e: {  	s7 =	smul.u32 @!p0 $0xF7A, s2;
	p2 =	seq.s32 @!p0 s5, $0x0  }
0x1f: {  	s9 =	smul.u32 $0xF7A, s1;
	s8 =	simm.s32 @!p0 $0x1BF5;
	p2 =	por !p2, p0  }
0x20: {  	[sflag:s8] =	ssyncset.s32 @!p0 $0xFFFFF086;
	s6 =	sadd.s32 @!p0 s3, s7;
	s7 =	simm.s32 @!p0 $0x108  }
0x21: {  	s3 =	sadd.s32 s3, s9;
	s6 =	sadd.s32 @!p0 $0x88, s6;
	s7 =	simm.s32 @p2 $0x1082  }
0x22: {  	[simem:s7], [sflag:s8] =	dma.local @!p0 [hbm:s6], $0xF7A  }
0x23: {  	s9 =	sor.u32 $0xD0000000, s2;
	s6 =	simm.s32 $0x108;
	_ =	swait.ge @!p0 [sflag:s8], $0x0  }
0x24: {  	s3 =	sadd.s32 $0x88, s3;
	s6 =	simm.s32 @!p1 $0x1082;
	[sflag:s4] =	ssyncset.s32 $0xFFFFF086  }
0x25: {  	[simem:s6], [sflag:s4] =	dma.local [hbm:s3], $0xF7A  }
0x26: {  	[smem:$0x3F9A] =	sst s1;
	(tag) =	ssettag s2;
	_ =	strace s9  }
0x27: {  	s1 =	sld [smem:$0x3FAA]  }
0x28: {  	s2 =	sld [smem:$0x3FAB]  }
0x29: {  	s4 =	sld [smem:$0x3FAD]  }
0x2a: {  	p0 =	seq.s32 s5, $0x0;
	s5 =	sld [smem:$0x3FAE]  }
0x2b: {  	s6 =	sld [smem:$0x3FAF]  }
0x2c: {  	s7 =	sld [smem:$0x3FB0]  }
0x2d: {  	s3 =	simm.s32 $0x108;
	s8 =	sld [smem:$0x3FB1]  }
0x2e: {  	s3 =	simm.s32 @!p0 $0x1082;
	s9 =	sld [smem:$0x3FB2]  }
0x2f: {  	lr =	sadd.s32 s0, s3;
	s0 =	sld [smem:$0x3FA9]  }
0x30: {  	s3 =	sld [smem:$0x3FAC]  }
0x31: {  	[smem:$0x3FB5] =	sst s10  }
0x32: {  	s10 =	sld [smem:$0x3FB3];
	_ =	sdelay $0x3  }
0x33: {  	p0 =	seq.s32 s10, $0x1;
	s10 =	sld [smem:$0x3FB5];
	_ =	sdelay $0x3  }
0x34: {  	[smem:$0x3FB5] =	sst s10  }
0x35: {  	s10 =	sld [smem:$0x3FB4];
	_ =	sdelay $0x3  }
0x36: {  	p1 =	seq.s32 s10, $0x1;
	s10 =	sld [smem:$0x3FB5];
	_ =	sdelay $0x3  }
0x37: {  	[smem:$0x3FB5] =	sst s10  }
0x38: {  	s10 =	sld [smem:$0x3FB6]  }
0x39: {  	_ = 	snop;
	(pc) =	sbr.ind lr, $3  }
0x3a: {  	_ = 	snop  }
0x3b: {  	_ = 	snop  }
0x3c: {  	p2 =	seq.s32 s10, $0x1;
	s10 =	sld [smem:$0x3FB5]  }
0x3d: {  	_ =	shalt  }
0x3e: {  	_ =	shalt  }
0x3f: {  	_ =	shalt  }
0x40: {  	_ =	shalt  }
0x41: {  	_ =	shalt  }
0x42: {  	_ =	shalt  }
0x43: {  	_ =	shalt  }
0x44: {  	_ =	shalt  }
0x45: {  	_ =	shalt  }
0x46: {  	_ =	shalt  }
0x47: {  	_ =	shalt  }
0x48: {  	_ =	shalt  }
0x49: {  	_ =	shalt  }
0x4a: {  	_ =	shalt  }
0x4b: {  	_ =	shalt  }
0x4c: {  	_ =	shalt  }
0x4d: {  	_ =	shalt  }
0x4e: {  	_ =	shalt  }
0x4f: {  	_ =	shalt  }
0x50: {  	_ =	shalt  }
0x51: {  	_ =	shalt  }
0x52: {  	_ =	shalt  }
0x53: {  	_ =	shalt  }
0x54: {  	_ =	shalt  }
0x55: {  	_ =	shalt  }
0x56: {  	_ =	shalt  }
0x57: {  	_ =	shalt  }
0x58: {  	_ =	shalt  }
0x59: {  	_ =	shalt  }
0x5a: {  	_ =	shalt  }
0x5b: {  	_ =	shalt  }
0x5c: {  	_ =	shalt  }
0x5d: {  	_ =	shalt  }
0x5e: {  	_ =	shalt  }
0x5f: {  	_ =	shalt  }
0x60: {  	_ =	shalt  }
0x61: {  	_ =	shalt  }
0x62: {  	_ =	shalt  }
0x63: {  	_ =	shalt  }
0x64: {  	_ =	shalt  }
0x65: {  	_ =	shalt  }
0x66: {  	_ =	shalt  }
0x67: {  	_ =	shalt  }
0x68: {  	_ =	shalt  }
0x69: {  	_ =	shalt  }
0x6a: {  	_ =	shalt  }
0x6b: {  	_ =	shalt  }
0x6c: {  	_ =	shalt  }
0x6d: {  	_ =	shalt  }
0x6e: {  	_ =	shalt  }
0x6f: {  	_ =	shalt  }
0x70: {  	_ =	shalt  }
0x71: {  	_ =	shalt  }
0x72: {  	_ =	shalt  }
0x73: {  	_ =	shalt  }
0x74: {  	_ =	shalt  }
0x75: {  	_ =	shalt  }
0x76: {  	_ =	shalt  }
0x77: {  	_ =	shalt  }
0x78: {  	_ =	shalt  }
0x79: {  	_ =	shalt  }
0x7a: {  	_ =	shalt  }
0x7b: {  	_ =	shalt  }
0x7c: {  	_ =	shalt  }
0x7d: {  	_ =	shalt  }
0x7e: {  	_ =	shalt  }
0x7f: {  	_ =	shalt  }
0x80: {  	_ =	shalt  }
0x81: {  	_ =	shalt  }
0x82: {  	_ =	shalt  }
0x83: {  	_ =	shalt  }
0x84: {  	_ =	shalt  }
0x85: {  	_ =	shalt  }
0x86: {  	_ =	shalt  }
0x87: {  	_ =	shalt  }
.Lfunc_end0:
.L_simem_size_0:
called_computation_lowered:
.L_overlay_start_0:
0x88: {  	s2 =	sld [smem:$0x3FD9]  }
0x89: {  	s3 =	sld [smem:$0x3FFE];
	_ =	sdelay $0x1  }
0x8a: {  	s1 =	srdreg.scid  }
0x8b: {  	s0 =	sand.u32 $0x1, s1  }
0x8c: {  	s17 =	sshll.u32 s0, $0xA;
	s2 =	sadd.s32 s3, s2  }
0x8d: {  	s2 =	sadd.s32 s2, s17  }
0x8e: {  	[smem:$0x3FC1] =	sst s2  }
0x8f: {  	_ = 	snop  }
0x90: {  	s2 =	sld [smem:$0x3FC9];
	(tm) =	ssettm $0x1  }
0x91: {  	s18 =	sld [smem:$0x3FFB];
	_ =	sdelay $0x3  }
0x92: {  	_ =	strace s18  }
0x93: {  	s3 =	sld [smem:$0x3FFC];
	_ =	sdelay $0x3  }
0x94: {  	_ =	strace s3  }
0x95: {  	s3 =	sld [smem:$0x3FFD];
	_ =	sdelay $0x3  }
0x96: {  	_ =	strace s3  }
0x97: {  	_ =	strace $0x8FFFFFFF  }
0x98: {  	s19 =	sld [smem:$0x3FDB];
	_ =	sdelay $0x1  }
0x99: {  	s4 =	simm.s32 $_scs_section_size  }
0x9a: {  	s5 =	simm.s32 $_size__tile_overlayer_lowered;
	s6 =	simm.s32 $_tile_overlayer_lowered  }
0x9b: {  	s22 =	simm.s32 $0x1BFF;
	s21 =	sshll.u32 s6, $0x1;
	s3 =	sadd.s32 s4, s19  }
0x9c: {  	s7 =	simm.s32 $0x0;
	s20 =	sshll.u32 s5, $0x1;
	s5 =	sadd.s32 s21, s3  }
0x9d: {  	[timem:s7], [sflag:s22] =	dma.local [hbm:s5], s20  }
0x9e: {  	_ =	swait.ge [sflag:s22], s20  }
0x9f: {  	s4 =	ssub.s32 $0x0, s20;
	[sflag:s22] =	ssyncset.done $0x0  }
0xa0: {  	[sflag:s22] =	ssyncadd.s32 s4;
	_ =	sdelay $0x1  }
0xa1: {  	s23 =	simm.s32 $0x1B8B  }
0xa2: {  	_ =	swait.ge [sflag:s23], $0x1  }
0xa3: {  	[sflag:s23] =	ssyncset.done $0x0  }
0xa4: {  	s25 =	simm.s32 $0x1B8E;
	s24 =	sld [smem:$0x3FFE];
	[sflag:s23] =	ssyncadd.s32 $0xFFFFFFFF  }
0xa5: {  	s26 =	simm.s32 $execute0_lowered;
	[smem:$0x3FD2] =	sst s25  }
0xa6: {  	s5 =	sshll.u32 s26, $0x1;
	_ =	strace $0x80000046;
	[dreg:$0x1] =	wrdreg $0xFFFFFFFF  }
0xa7: {  	s28 =	simm.s32 $_size_execute0_lowered;
	s3 =	sadd.s32 s3, s5;
	[dreg:$0x0] =	wrdreg $0x0  }
0xa8: {  	s5 =	sshll.u32 s28, $0x1;
	[dreg:$0x2] =	wrdreg s3  }
0xa9: {  	[dreg:$0x3] =	wrdreg s5  }
0xaa: {  	[dreg:$0x4] =	wrdreg $0xC0  }
0xab: {  	_ =	task [dreg:s7], $0x5FFFF  }
0xac: {  	[dreg:$0x1] =	wrdreg $0xFFFFFFFF  }
0xad: {  	[dreg:$0x0] =	wrdreg $0x60  }
0xae: {  	[dreg:$0x2] =	wrdreg s2  }
0xaf: {  	[dreg:$0x3] =	wrdreg s24  }
0xb0: {  	[dreg:$0x4] =	wrdreg $0x9  }
0xb1: {  	_ =	task.clear_ibuf [dreg:s7], $0x5FFFF;
	_ =	strace $0x90000046  }
0xb2: {  	s29 =	simm.s32 $0x9;
	_ =	strace $0x80000048  }
0xb3: {  	_ =	swait.ge [sflag:s29], $0x1  }
0xb4: {  	[sflag:s29] =	ssyncadd.s32 $0xFFFFFFFF  }
0xb5: {  	_ =	strace $0x90000048  }
0xb6: {  	_ =	sfence  }
0xb7: {  	s30 =	sld [smem:$0x0];
	_ =	sdelay $0x2  }
0xb8: {  	s31 =	sshll.u32 s1, $0xD;
	s1 =	sshrl.u32 s1, $0x2  }
0xb9: {  	s3 =	sand.u32 $0x4000, s31;
	s1 =	sadd.s32 s1, s30  }
0xba: {  	s0 =	sor.u32 s3, s0;
	s1 =	sshll.u32 s1, $0x11  }
0xbb: {  	s0 =	sor.u32 s1, s0  }
0xbc: {  	s0 =	sadd.s32 $0x8F2B, s0  }
0xbd: {  	[sflag:s0] =	ssyncadd.remote.s32 $0x1  }
0xbe: {  	_ =	sfence.sel $0xFFFF  }
0xbf: {  	[dreg:$0x0] =	wrdreg $0xFFFFFFFF;
	(pc) =	sbr.abs _section_cstart, $3  }
0xc0: {  	[dreg:$0x1] =	wrdreg $0xFFFFFFFF  }
0xc1: {  	_ =	task.clear_ibuf [dreg:s7], $0x2FFFF;
	_ =	strace $0x9FFFFFFF  }
0xc2: {  	(tm) =	ssettm $0x7FFFFFFF  }
0xc3: {  	_ =	shalt  }
tec
execute0_lowered:
.L_overlay_start_1:
0x0: {  	(tag) =	ssettag $0x1  }
0x1: {  	s0 =	rddreg [dreg:$0x0]  }
0x2: {  	s2 =	rddreg [dreg:$0x1];
	s3 =	srdreg.scid  }
0x3: {  	s1 =	simm.s32 $0x0;
	s8 =	stileid.u32;
	s24 =	simm.s32 $0x200  }
0x4: {  	s19 =	simm.s32 $0x1;
	s4 =	sand.u32 $0x1, s3;
	[smem:$0x7FF] =	sst s1  }
0x5: {  	s7 =	sshll.u32 s8, $0x7;
	s8 =	sshll.u32 s8, $0x10;
	s3 =	sshll.u32 s4, $0x6  }
0x6: {  	_ =	strace $0x80000047;
	s6 =	ssub.s32 $0x2, s4;
	s4 =	sshll.u32 s4, $0xF  }
0x7: {  	s5 =	sadd.s32 s3, s2;
	s3 =	sadd.s32 $0x1A00, s2;
	s4 =	sor.u32 s4, s8  }
0x8: {  	s9 =	sshrl.u32 s6, $0x1;
	s5 =	sadd.s32 s7, s5;
	s4 =	sadd.s32 s0, s4  }
0x9: {  	s29 =	ssub.s32 s6, s9;
	s5 =	sadd.s32 $0x1200, s5;
	[dreg:$0x7] =	wrdreg s4  }
0xa: {  	s6 =	sadd.s32 $0x1C00, s2;
	s0 =	sadd.s32 $0x2000, s4;
	[dreg:$0x3] =	wrdreg s5  }
0xb: {  	v2 =	vlaneseq.u32;
	s7 =	sadd.s32 $0x1D00, s2;
	s30 =	sadd.s32 $0x4000, s4;
	[dreg:$0x4] =	wrdreg s0  }
0xc: {  	vm0 =	vmmov $0xffff;
	v1 =	vshrl.u32 v2, $0x3;
	s9 =	simm.s32 $0x2;
	s31 =	sadd.s32 $0x6000, s4;
	[dreg:$0x5] =	wrdreg s30  }
0xd: {  	v0 =	vand.u32 $0x7, v2;
	v2 =	vor.u32 $0x8, v2;
	v1 =	vmul.u32 $0x8, v1;
	s8 =	smax.u32 s29, $0x1;
	s5 =	sadd.s32 $0x1B00, s2;
	[dreg:$0x6] =	wrdreg s31  }
.LBB2_1:
0xe: {  	s20 =	rddreg [dreg:$0x3]  }
0xf: {  	[tilespmem:s1], [sflag:$0x2] =	stream.linear.gather [hbm4b:s20+s1], $0x200, $0x38;
	[tilespmem:$0x10200] =	vst v63  }
0x10: {  	_ =	swait.ge [sflag:s9], $0x200  }
0x11: {  	[sflag:s9] =	ssyncset.done $0x0  }
0x12: {  	s18 =	rddreg [dreg:$0x7];
	[sflag:s9] =	ssyncadd.s32 $0xFFFFFE00  }
0x13: {  	[tilespmem:s24], [sflag:$0x2] =	stream.linear.gather [hbm4b:s18+s1], $0x10000, $0x38;
	[tilespmem:$0x10200] =	vst v63  }
0x14: {  	_ =	swait.ge [sflag:s9], $0x10000  }
0x15: {  	[sflag:s9] =	ssyncset.done $0x0  }
0x16: {  	[sflag:s9] =	ssyncadd.s32 $0xFFFF0000  }
0x17: {  	v3 =	vld [tilespmem:$0x0];
	_ =	sdelay $0x4  }
0x18: {  	v4 =	vshll.u32 v3, $0x3  }
0x19: {  	v3 =	vand.u32 $0x7, v3;
	v4 =	vand.u32 $0xFFFFFFC0, v4  }
0x1a: {  	v3 =	vor.u32 v3, v4  }
0x1b: {  	v4 =	vperm.xlane v3, v0;
	_ =	sdelay $0x1  }
0x1c: {  	v4 =	vadd.s32 v1, v4;
	_ =	sdelay $0x4  }
0x1d: {  	[hbm4b:s3+s1] =	stream.indirect_vreg.scatter [tilespmem:s24], [sflag:$0x1], $0x80, v4, vm0, $0xb8;
	[tilespmem:$0x10200] =	vst v63  }
0x1e: {  	s0 =	simm.s32 $0xA00;
	v3 =	vperm.xlane v3, v2  }
0x1f: {  	[hbm4b:s5+s1] =	stream.indirect_vreg.scatter [tilespmem:s0], [sflag:$0x1], $0x80, v4, vm0, $0xb8;
	[tilespmem:$0x10200] =	vst v63  }
0x20: {  	s21 =	simm.s32 $0x1200;
	v3 =	vadd.s32 v1, v3  }
0x21: {  	[hbm4b:s6+s1] =	stream.indirect_vreg.scatter [tilespmem:s21], [sflag:$0x1], $0x80, v4, vm0, $0xb8;
	[tilespmem:$0x10200] =	vst v63  }
0x22: {  	s22 =	simm.s32 $0x1A00  }
0x23: {  	[hbm4b:s7+s1] =	stream.indirect_vreg.scatter [tilespmem:s22], [sflag:$0x1], $0x80, v4, vm0, $0xb8;
	[tilespmem:$0x10200] =	vst v63  }
0x24: {  	s23 =	simm.s32 $0x2200  }
0x25: {  	[hbm4b:s3+s1] =	stream.indirect_vreg.scatter [tilespmem:s23], [sflag:$0x1], $0x80, v3, vm0, $0xb8;
	[tilespmem:$0x10200] =	vst v63  }
0x26: {  	s25 =	simm.s32 $0x2A00  }
0x27: {  	[hbm4b:s5+s1] =	stream.indirect_vreg.scatter [tilespmem:s25], [sflag:$0x1], $0x80, v3, vm0, $0xb8;
	[tilespmem:$0x10200] =	vst v63  }
0x28: {  	s26 =	simm.s32 $0x3200  }
0x29: {  	[hbm4b:s6+s1] =	stream.indirect_vreg.scatter [tilespmem:s26], [sflag:$0x1], $0x80, v3, vm0, $0xb8;
	[tilespmem:$0x10200] =	vst v63  }
0x2a: {  	s28 =	simm.s32 $0x3A00  }
0x2b: {  	[hbm4b:s7+s1] =	stream.indirect_vreg.scatter [tilespmem:s28], [sflag:$0x1], $0x80, v3, vm0, $0xb8;
	[tilespmem:$0x10200] =	vst v63  }
0x2c: {  	v3 =	vld [tilespmem:$0x10];
	_ =	sdelay $0x4  }
0x2d: {  	v49 =	vshll.u32 v3, $0x3  }
0x2e: {  	v3 =	vand.u32 $0x7, v3;
	v4 =	vand.u32 $0xFFFFFFC0, v49  }
0x2f: {  	v3 =	vor.u32 v3, v4  }
0x30: {  	v4 =	vperm.xlane v3, v0;
	_ =	sdelay $0x1  }
0x31: {  	v4 =	vadd.s32 v1, v4;
	_ =	sdelay $0x3  }
0x32: {  	s29 =	simm.s32 $0x4200  }
0x33: {  	[hbm4b:s3+s1] =	stream.indirect_vreg.scatter [tilespmem:s29], [sflag:$0x1], $0x80, v4, vm0, $0xb8;
	[tilespmem:$0x10200] =	vst v63  }
0x34: {  	s30 =	simm.s32 $0x4A00;
	v3 =	vperm.xlane v3, v2  }
0x35: {  	[hbm4b:s5+s1] =	stream.indirect_vreg.scatter [tilespmem:s30], [sflag:$0x1], $0x80, v4, vm0, $0xb8;
	[tilespmem:$0x10200] =	vst v63  }
0x36: {  	s31 =	simm.s32 $0x5200;
	v3 =	vadd.s32 v1, v3  }
0x37: {  	[hbm4b:s6+s1] =	stream.indirect_vreg.scatter [tilespmem:s31], [sflag:$0x1], $0x80, v4, vm0, $0xb8;
	[tilespmem:$0x10200] =	vst v63  }
0x38: {  	s13 =	simm.s32 $0x5A00  }
0x39: {  	[hbm4b:s7+s1] =	stream.indirect_vreg.scatter [tilespmem:s13], [sflag:$0x1], $0x80, v4, vm0, $0xb8;
	[tilespmem:$0x10200] =	vst v63  }
0x3a: {  	s16 =	simm.s32 $0x6200  }
0x3b: {  	[hbm4b:s3+s1] =	stream.indirect_vreg.scatter [tilespmem:s16], [sflag:$0x1], $0x80, v3, vm0, $0xb8;
	[tilespmem:$0x10200] =	vst v63  }
0x3c: {  	s18 =	simm.s32 $0x6A00  }
0x3d: {  	[hbm4b:s5+s1] =	stream.indirect_vreg.scatter [tilespmem:s18], [sflag:$0x1], $0x80, v3, vm0, $0xb8;
	[tilespmem:$0x10200] =	vst v63  }
0x3e: {  	s20 =	simm.s32 $0x7200  }
0x3f: {  	[hbm4b:s6+s1] =	stream.indirect_vreg.scatter [tilespmem:s20], [sflag:$0x1], $0x80, v3, vm0, $0xb8;
	[tilespmem:$0x10200] =	vst v63  }
0x40: {  	s21 =	simm.s32 $0x7A00  }
0x41: {  	[hbm4b:s7+s1] =	stream.indirect_vreg.scatter [tilespmem:s21], [sflag:$0x1], $0x80, v3, vm0, $0xb8;
	[tilespmem:$0x10200] =	vst v63  }
0x42: {  	v3 =	vld [tilespmem:$0x20];
	_ =	sdelay $0x4  }
0x43: {  	v50 =	vshll.u32 v3, $0x3  }
0x44: {  	v3 =	vand.u32 $0x7, v3;
	v4 =	vand.u32 $0xFFFFFFC0, v50  }
0x45: {  	v3 =	vor.u32 v3, v4  }
0x46: {  	v4 =	vperm.xlane v3, v0;
	_ =	sdelay $0x1  }
0x47: {  	v4 =	vadd.s32 v1, v4;
	_ =	sdelay $0x3  }
0x48: {  	s22 =	simm.s32 $0x8200  }
0x49: {  	[hbm4b:s3+s1] =	stream.indirect_vreg.scatter [tilespmem:s22], [sflag:$0x1], $0x80, v4, vm0, $0xb8;
	[tilespmem:$0x10200] =	vst v63  }
0x4a: {  	s23 =	simm.s32 $0x8A00;
	v3 =	vperm.xlane v3, v2  }
0x4b: {  	[hbm4b:s5+s1] =	stream.indirect_vreg.scatter [tilespmem:s23], [sflag:$0x1], $0x80, v4, vm0, $0xb8;
	[tilespmem:$0x10200] =	vst v63  }
0x4c: {  	s25 =	simm.s32 $0x9200;
	v3 =	vadd.s32 v1, v3  }
0x4d: {  	[hbm4b:s6+s1] =	stream.indirect_vreg.scatter [tilespmem:s25], [sflag:$0x1], $0x80, v4, vm0, $0xb8;
	[tilespmem:$0x10200] =	vst v63  }
0x4e: {  	s26 =	simm.s32 $0x9A00  }
0x4f: {  	[hbm4b:s7+s1] =	stream.indirect_vreg.scatter [tilespmem:s26], [sflag:$0x1], $0x80, v4, vm0, $0xb8;
	[tilespmem:$0x10200] =	vst v63  }
0x50: {  	s28 =	simm.s32 $0xA200  }
0x51: {  	[hbm4b:s3+s1] =	stream.indirect_vreg.scatter [tilespmem:s28], [sflag:$0x1], $0x80, v3, vm0, $0xb8;
	[tilespmem:$0x10200] =	vst v63  }
0x52: {  	s29 =	simm.s32 $0xAA00  }
0x53: {  	[hbm4b:s5+s1] =	stream.indirect_vreg.scatter [tilespmem:s29], [sflag:$0x1], $0x80, v3, vm0, $0xb8;
	[tilespmem:$0x10200] =	vst v63  }
0x54: {  	s30 =	simm.s32 $0xB200  }
0x55: {  	[hbm4b:s6+s1] =	stream.indirect_vreg.scatter [tilespmem:s30], [sflag:$0x1], $0x80, v3, vm0, $0xb8;
	[tilespmem:$0x10200] =	vst v63  }
0x56: {  	s31 =	simm.s32 $0xBA00  }
0x57: {  	[hbm4b:s7+s1] =	stream.indirect_vreg.scatter [tilespmem:s31], [sflag:$0x1], $0x80, v3, vm0, $0xb8;
	[tilespmem:$0x10200] =	vst v63  }
0x58: {  	v3 =	vld [tilespmem:$0x30];
	_ =	sdelay $0x4  }
0x59: {  	v51 =	vshll.u32 v3, $0x3  }
0x5a: {  	v3 =	vand.u32 $0x7, v3;
	v4 =	vand.u32 $0xFFFFFFC0, v51  }
0x5b: {  	v3 =	vor.u32 v3, v4  }
0x5c: {  	v4 =	vperm.xlane v3, v0;
	_ =	sdelay $0x1  }
0x5d: {  	v4 =	vadd.s32 v1, v4;
	_ =	sdelay $0x3  }
0x5e: {  	s0 =	simm.s32 $0xC200  }
0x5f: {  	[hbm4b:s3+s1] =	stream.indirect_vreg.scatter [tilespmem:s0], [sflag:$0x1], $0x80, v4, vm0, $0xb8;
	[tilespmem:$0x10200] =	vst v63  }
0x60: {  	s16 =	simm.s32 $0xCA00;
	v3 =	vperm.xlane v3, v2  }
0x61: {  	[hbm4b:s5+s1] =	stream.indirect_vreg.scatter [tilespmem:s16], [sflag:$0x1], $0x80, v4, vm0, $0xb8;
	[tilespmem:$0x10200] =	vst v63  }
0x62: {  	s18 =	simm.s32 $0xD200;
	v3 =	vadd.s32 v1, v3  }
0x63: {  	[hbm4b:s6+s1] =	stream.indirect_vreg.scatter [tilespmem:s18], [sflag:$0x1], $0x80, v4, vm0, $0xb8;
	[tilespmem:$0x10200] =	vst v63  }
0x64: {  	s26 =	simm.s32 $0xDA00  }
0x65: {  	[hbm4b:s7+s1] =	stream.indirect_vreg.scatter [tilespmem:s26], [sflag:$0x1], $0x80, v4, vm0, $0xb8;
	[tilespmem:$0x10200] =	vst v63  }
0x66: {  	s29 =	simm.s32 $0xE200  }
0x67: {  	[hbm4b:s3+s1] =	stream.indirect_vreg.scatter [tilespmem:s29], [sflag:$0x1], $0x80, v3, vm0, $0xb8;
	[tilespmem:$0x10200] =	vst v63  }
0x68: {  	s30 =	simm.s32 $0xEA00  }
0x69: {  	[hbm4b:s5+s1] =	stream.indirect_vreg.scatter [tilespmem:s30], [sflag:$0x1], $0x80, v3, vm0, $0xb8;
	[tilespmem:$0x10200] =	vst v63  }
0x6a: {  	s31 =	simm.s32 $0xF200  }
0x6b: {  	[hbm4b:s6+s1] =	stream.indirect_vreg.scatter [tilespmem:s31], [sflag:$0x1], $0x80, v3, vm0, $0xb8;
	[tilespmem:$0x10200] =	vst v63  }
0x6c: {  	s0 =	simm.s32 $0xFA00  }
0x6d: {  	[hbm4b:s7+s1] =	stream.indirect_vreg.scatter [tilespmem:s0], [sflag:$0x1], $0x80, v3, vm0, $0xb8;
	[tilespmem:$0x10200] =	vst v63  }
0x6e: {  	_ =	swait.ge [sflag:s19], $0x10000  }
0x6f: {  	[sflag:s19] =	ssyncset.done $0x0  }
0x70: {  	s16 =	rddreg [dreg:$0x4];
	[sflag:s19] =	ssyncadd.s32 $0xFFFF0000  }
0x71: {  	[tilespmem:s24], [sflag:$0x2] =	stream.linear.gather [hbm4b:s16+s1], $0x10000, $0x38;
	[tilespmem:$0x10200] =	vst v63  }
0x72: {  	_ =	swait.ge [sflag:s9], $0x10000  }
0x73: {  	[sflag:s9] =	ssyncset.done $0x0  }
0x74: {  	[sflag:s9] =	ssyncadd.s32 $0xFFFF0000  }
0x75: {  	v3 =	vld [tilespmem:$0x80];
	_ =	sdelay $0x4  }
0x76: {  	v52 =	vshll.u32 v3, $0x3  }
0x77: {  	v3 =	vand.u32 $0x7, v3;
	v4 =	vand.u32 $0xFFFFFFC0, v52  }
0x78: {  	v3 =	vor.u32 v3, v4  }
0x79: {  	v4 =	vperm.xlane v3, v0;
	_ =	sdelay $0x1  }
0x7a: {  	v4 =	vadd.s32 v1, v4;
	_ =	sdelay $0x4  }
0x7b: {  	[hbm4b:s3+s1] =	stream.indirect_vreg.scatter [tilespmem:s24], [sflag:$0x1], $0x80, v4, vm0, $0xb8;
	[tilespmem:$0x10200] =	vst v63  }
0x7c: {  	s14 =	simm.s32 $0xA00;
	v3 =	vperm.xlane v3, v2  }
0x7d: {  	[hbm4b:s5+s1] =	stream.indirect_vreg.scatter [tilespmem:s14], [sflag:$0x1], $0x80, v4, vm0, $0xb8;
	[tilespmem:$0x10200] =	vst v63  }
0x7e: {  	s2 =	simm.s32 $0x1200;
	v3 =	vadd.s32 v1, v3  }
0x7f: {  	[hbm4b:s6+s1] =	stream.indirect_vreg.scatter [tilespmem:s2], [sflag:$0x1], $0x80, v4, vm0, $0xb8;
	[tilespmem:$0x10200] =	vst v63  }
0x80: {  	s4 =	simm.s32 $0x1A00  }
0x81: {  	[hbm4b:s7+s1] =	stream.indirect_vreg.scatter [tilespmem:s4], [sflag:$0x1], $0x80, v4, vm0, $0xb8;
	[tilespmem:$0x10200] =	vst v63  }
0x82: {  	s10 =	simm.s32 $0x2200  }
0x83: {  	[hbm4b:s3+s1] =	stream.indirect_vreg.scatter [tilespmem:s10], [sflag:$0x1], $0x80, v3, vm0, $0xb8;
	[tilespmem:$0x10200] =	vst v63  }
0x84: {  	s11 =	simm.s32 $0x2A00  }
0x85: {  	[hbm4b:s5+s1] =	stream.indirect_vreg.scatter [tilespmem:s11], [sflag:$0x1], $0x80, v3, vm0, $0xb8;
	[tilespmem:$0x10200] =	vst v63  }
0x86: {  	s12 =	simm.s32 $0x3200  }
0x87: {  	[hbm4b:s6+s1] =	stream.indirect_vreg.scatter [tilespmem:s12], [sflag:$0x1], $0x80, v3, vm0, $0xb8;
	[tilespmem:$0x10200] =	vst v63  }
0x88: {  	s15 =	simm.s32 $0x3A00  }
0x89: {  	[hbm4b:s7+s1] =	stream.indirect_vreg.scatter [tilespmem:s15], [sflag:$0x1], $0x80, v3, vm0, $0xb8;
	[tilespmem:$0x10200] =	vst v63  }
0x8a: {  	v3 =	vld [tilespmem:$0x90];
	_ =	sdelay $0x4  }
0x8b: {  	v53 =	vshll.u32 v3, $0x3  }
0x8c: {  	v3 =	vand.u32 $0x7, v3;
	v4 =	vand.u32 $0xFFFFFFC0, v53  }
0x8d: {  	v3 =	vor.u32 v3, v4  }
0x8e: {  	v4 =	vperm.xlane v3, v0;
	_ =	sdelay $0x1  }
0x8f: {  	v4 =	vadd.s32 v1, v4;
	_ =	sdelay $0x3  }
0x90: {  	s16 =	simm.s32 $0x4200  }
0x91: {  	[hbm4b:s3+s1] =	stream.indirect_vreg.scatter [tilespmem:s16], [sflag:$0x1], $0x80, v4, vm0, $0xb8;
	[tilespmem:$0x10200] =	vst v63  }
0x92: {  	s17 =	simm.s32 $0x4A00;
	v3 =	vperm.xlane v3, v2  }
0x93: {  	[hbm4b:s5+s1] =	stream.indirect_vreg.scatter [tilespmem:s17], [sflag:$0x1], $0x80, v4, vm0, $0xb8;
	[tilespmem:$0x10200] =	vst v63  }
0x94: {  	v3 =	vadd.s32 v1, v3;
	s17 =	simm.s32 $0x5200  }
0x95: {  	[hbm4b:s6+s1] =	stream.indirect_vreg.scatter [tilespmem:s17], [sflag:$0x1], $0x80, v4, vm0, $0xb8;
	[tilespmem:$0x10200] =	vst v63  }
0x96: {  	s0 =	simm.s32 $0x5A00  }
0x97: {  	[hbm4b:s7+s1] =	stream.indirect_vreg.scatter [tilespmem:s0], [sflag:$0x1], $0x80, v4, vm0, $0xb8;
	[tilespmem:$0x10200] =	vst v63  }
0x98: {  	s2 =	simm.s32 $0x6200  }
0x99: {  	[hbm4b:s3+s1] =	stream.indirect_vreg.scatter [tilespmem:s2], [sflag:$0x1], $0x80, v3, vm0, $0xb8;
	[tilespmem:$0x10200] =	vst v63  }
0x9a: {  	s4 =	simm.s32 $0x6A00  }
0x9b: {  	[hbm4b:s5+s1] =	stream.indirect_vreg.scatter [tilespmem:s4], [sflag:$0x1], $0x80, v3, vm0, $0xb8;
	[tilespmem:$0x10200] =	vst v63  }
0x9c: {  	s10 =	simm.s32 $0x7200  }
0x9d: {  	[hbm4b:s6+s1] =	stream.indirect_vreg.scatter [tilespmem:s10], [sflag:$0x1], $0x80, v3, vm0, $0xb8;
	[tilespmem:$0x10200] =	vst v63  }
0x9e: {  	s13 =	simm.s32 $0x7A00  }
0x9f: {  	[hbm4b:s7+s1] =	stream.indirect_vreg.scatter [tilespmem:s13], [sflag:$0x1], $0x80, v3, vm0, $0xb8;
	[tilespmem:$0x10200] =	vst v63  }
0xa0: {  	v3 =	vld [tilespmem:$0xA0];
	_ =	sdelay $0x4  }
0xa1: {  	v54 =	vshll.u32 v3, $0x3  }
0xa2: {  	v3 =	vand.u32 $0x7, v3;
	v4 =	vand.u32 $0xFFFFFFC0, v54  }
0xa3: {  	v3 =	vor.u32 v3, v4  }
0xa4: {  	v4 =	vperm.xlane v3, v0;
	_ =	sdelay $0x1  }
0xa5: {  	v4 =	vadd.s32 v1, v4;
	_ =	sdelay $0x3  }
0xa6: {  	s14 =	simm.s32 $0x8200  }
0xa7: {  	[hbm4b:s3+s1] =	stream.indirect_vreg.scatter [tilespmem:s14], [sflag:$0x1], $0x80, v4, vm0, $0xb8;
	[tilespmem:$0x10200] =	vst v63  }
0xa8: {  	s15 =	simm.s32 $0x8A00;
	v3 =	vperm.xlane v3, v2  }
0xa9: {  	[hbm4b:s5+s1] =	stream.indirect_vreg.scatter [tilespmem:s15], [sflag:$0x1], $0x80, v4, vm0, $0xb8;
	[tilespmem:$0x10200] =	vst v63  }
0xaa: {  	s11 =	simm.s32 $0x9200;
	v3 =	vadd.s32 v1, v3  }
0xab: {  	[hbm4b:s6+s1] =	stream.indirect_vreg.scatter [tilespmem:s11], [sflag:$0x1], $0x80, v4, vm0, $0xb8;
	[tilespmem:$0x10200] =	vst v63  }
0xac: {  	s12 =	simm.s32 $0x9A00  }
0xad: {  	[hbm4b:s7+s1] =	stream.indirect_vreg.scatter [tilespmem:s12], [sflag:$0x1], $0x80, v4, vm0, $0xb8;
	[tilespmem:$0x10200] =	vst v63  }
0xae: {  	s13 =	simm.s32 $0xA200  }
0xaf: {  	[hbm4b:s3+s1] =	stream.indirect_vreg.scatter [tilespmem:s13], [sflag:$0x1], $0x80, v3, vm0, $0xb8;
	[tilespmem:$0x10200] =	vst v63  }
0xb0: {  	s25 =	simm.s32 $0xAA00  }
0xb1: {  	[hbm4b:s5+s1] =	stream.indirect_vreg.scatter [tilespmem:s25], [sflag:$0x1], $0x80, v3, vm0, $0xb8;
	[tilespmem:$0x10200] =	vst v63  }
0xb2: {  	s28 =	simm.s32 $0xB200  }
0xb3: {  	[hbm4b:s6+s1] =	stream.indirect_vreg.scatter [tilespmem:s28], [sflag:$0x1], $0x80, v3, vm0, $0xb8;
	[tilespmem:$0x10200] =	vst v63  }
0xb4: {  	s21 =	simm.s32 $0xBA00  }
0xb5: {  	[hbm4b:s7+s1] =	stream.indirect_vreg.scatter [tilespmem:s21], [sflag:$0x1], $0x80, v3, vm0, $0xb8;
	[tilespmem:$0x10200] =	vst v63  }
0xb6: {  	v3 =	vld [tilespmem:$0xB0];
	_ =	sdelay $0x4  }
0xb7: {  	v55 =	vshll.u32 v3, $0x3  }
0xb8: {  	v3 =	vand.u32 $0x7, v3;
	v4 =	vand.u32 $0xFFFFFFC0, v55  }
0xb9: {  	v3 =	vor.u32 v3, v4  }
0xba: {  	v4 =	vperm.xlane v3, v0;
	_ =	sdelay $0x1  }
0xbb: {  	v4 =	vadd.s32 v1, v4;
	_ =	sdelay $0x3  }
0xbc: {  	s22 =	simm.s32 $0xC200  }
0xbd: {  	[hbm4b:s3+s1] =	stream.indirect_vreg.scatter [tilespmem:s22], [sflag:$0x1], $0x80, v4, vm0, $0xb8;
	[tilespmem:$0x10200] =	vst v63  }
0xbe: {  	s23 =	simm.s32 $0xCA00;
	v3 =	vperm.xlane v3, v2  }
0xbf: {  	[hbm4b:s5+s1] =	stream.indirect_vreg.scatter [tilespmem:s23], [sflag:$0x1], $0x80, v4, vm0, $0xb8;
	[tilespmem:$0x10200] =	vst v63  }
0xc0: {  	v3 =	vadd.s32 v1, v3;
	s23 =	simm.s32 $0xD200  }
0xc1: {  	[hbm4b:s6+s1] =	stream.indirect_vreg.scatter [tilespmem:s23], [sflag:$0x1], $0x80, v4, vm0, $0xb8;
	[tilespmem:$0x10200] =	vst v63  }
0xc2: {  	s28 =	simm.s32 $0xDA00  }
0xc3: {  	[hbm4b:s7+s1] =	stream.indirect_vreg.scatter [tilespmem:s28], [sflag:$0x1], $0x80, v4, vm0, $0xb8;
	[tilespmem:$0x10200] =	vst v63  }
0xc4: {  	s22 =	simm.s32 $0xE200  }
0xc5: {  	[hbm4b:s3+s1] =	stream.indirect_vreg.scatter [tilespmem:s22], [sflag:$0x1], $0x80, v3, vm0, $0xb8;
	[tilespmem:$0x10200] =	vst v63  }
0xc6: {  	s29 =	simm.s32 $0xEA00  }
0xc7: {  	[hbm4b:s5+s1] =	stream.indirect_vreg.scatter [tilespmem:s29], [sflag:$0x1], $0x80, v3, vm0, $0xb8;
	[tilespmem:$0x10200] =	vst v63  }
0xc8: {  	s23 =	simm.s32 $0xF200  }
0xc9: {  	[hbm4b:s6+s1] =	stream.indirect_vreg.scatter [tilespmem:s23], [sflag:$0x1], $0x80, v3, vm0, $0xb8;
	[tilespmem:$0x10200] =	vst v63  }
0xca: {  	s18 =	simm.s32 $0xFA00  }
0xcb: {  	[hbm4b:s7+s1] =	stream.indirect_vreg.scatter [tilespmem:s18], [sflag:$0x1], $0x80, v3, vm0, $0xb8;
	[tilespmem:$0x10200] =	vst v63  }
0xcc: {  	_ =	swait.ge [sflag:s19], $0x10000  }
0xcd: {  	[sflag:s19] =	ssyncset.done $0x0  }
0xce: {  	s18 =	rddreg [dreg:$0x5];
	[sflag:s19] =	ssyncadd.s32 $0xFFFF0000  }
0xcf: {  	[tilespmem:s24], [sflag:$0x2] =	stream.linear.gather [hbm4b:s18+s1], $0x10000, $0x38;
	[tilespmem:$0x10200] =	vst v63  }
0xd0: {  	_ =	swait.ge [sflag:s9], $0x10000  }
0xd1: {  	[sflag:s9] =	ssyncset.done $0x0  }
0xd2: {  	[sflag:s9] =	ssyncadd.s32 $0xFFFF0000  }
0xd3: {  	v3 =	vld [tilespmem:$0x100];
	_ =	sdelay $0x4  }
0xd4: {  	v56 =	vshll.u32 v3, $0x3  }
0xd5: {  	v3 =	vand.u32 $0x7, v3;
	v4 =	vand.u32 $0xFFFFFFC0, v56  }
0xd6: {  	v3 =	vor.u32 v3, v4  }
0xd7: {  	v4 =	vperm.xlane v3, v0;
	_ =	sdelay $0x1  }
0xd8: {  	v4 =	vadd.s32 v1, v4;
	_ =	sdelay $0x4  }
0xd9: {  	[hbm4b:s3+s1] =	stream.indirect_vreg.scatter [tilespmem:s24], [sflag:$0x1], $0x80, v4, vm0, $0xb8;
	[tilespmem:$0x10200] =	vst v63  }
0xda: {  	s31 =	simm.s32 $0xA00;
	v3 =	vperm.xlane v3, v2  }
0xdb: {  	[hbm4b:s5+s1] =	stream.indirect_vreg.scatter [tilespmem:s31], [sflag:$0x1], $0x80, v4, vm0, $0xb8;
	[tilespmem:$0x10200] =	vst v63  }
0xdc: {  	s30 =	simm.s32 $0x1200;
	v3 =	vadd.s32 v1, v3  }
0xdd: {  	[hbm4b:s6+s1] =	stream.indirect_vreg.scatter [tilespmem:s30], [sflag:$0x1], $0x80, v4, vm0, $0xb8;
	[tilespmem:$0x10200] =	vst v63  }
0xde: {  	s20 =	simm.s32 $0x1A00  }
0xdf: {  	[hbm4b:s7+s1] =	stream.indirect_vreg.scatter [tilespmem:s20], [sflag:$0x1], $0x80, v4, vm0, $0xb8;
	[tilespmem:$0x10200] =	vst v63  }
0xe0: {  	s30 =	simm.s32 $0x2200  }
0xe1: {  	[hbm4b:s3+s1] =	stream.indirect_vreg.scatter [tilespmem:s30], [sflag:$0x1], $0x80, v3, vm0, $0xb8;
	[tilespmem:$0x10200] =	vst v63  }
0xe2: {  	s20 =	simm.s32 $0x2A00  }
0xe3: {  	[hbm4b:s5+s1] =	stream.indirect_vreg.scatter [tilespmem:s20], [sflag:$0x1], $0x80, v3, vm0, $0xb8;
	[tilespmem:$0x10200] =	vst v63  }
0xe4: {  	s30 =	simm.s32 $0x3200  }
0xe5: {  	[hbm4b:s6+s1] =	stream.indirect_vreg.scatter [tilespmem:s30], [sflag:$0x1], $0x80, v3, vm0, $0xb8;
	[tilespmem:$0x10200] =	vst v63  }
0xe6: {  	s20 =	simm.s32 $0x3A00  }
0xe7: {  	[hbm4b:s7+s1] =	stream.indirect_vreg.scatter [tilespmem:s20], [sflag:$0x1], $0x80, v3, vm0, $0xb8;
	[tilespmem:$0x10200] =	vst v63  }
0xe8: {  	v3 =	vld [tilespmem:$0x110];
	_ =	sdelay $0x4  }
0xe9: {  	v57 =	vshll.u32 v3, $0x3  }
0xea: {  	v3 =	vand.u32 $0x7, v3;
	v4 =	vand.u32 $0xFFFFFFC0, v57  }
0xeb: {  	v3 =	vor.u32 v3, v4  }
0xec: {  	v4 =	vperm.xlane v3, v0;
	_ =	sdelay $0x1  }
0xed: {  	v4 =	vadd.s32 v1, v4;
	_ =	sdelay $0x4  }
0xee: {  	[hbm4b:s3+s1] =	stream.indirect_vreg.scatter [tilespmem:s16], [sflag:$0x1], $0x80, v4, vm0, $0xb8;
	[tilespmem:$0x10200] =	vst v63  }
0xef: {  	s30 =	simm.s32 $0x4A00;
	v3 =	vperm.xlane v3, v2  }
0xf0: {  	[hbm4b:s5+s1] =	stream.indirect_vreg.scatter [tilespmem:s30], [sflag:$0x1], $0x80, v4, vm0, $0xb8;
	[tilespmem:$0x10200] =	vst v63  }
0xf1: {  	v3 =	vadd.s32 v1, v3  }
0xf2: {  	[hbm4b:s6+s1] =	stream.indirect_vreg.scatter [tilespmem:s17], [sflag:$0x1], $0x80, v4, vm0, $0xb8;
	[tilespmem:$0x10200] =	vst v63  }
0xf3: {  	_ = 	snop  }
0xf4: {  	[hbm4b:s7+s1] =	stream.indirect_vreg.scatter [tilespmem:s0], [sflag:$0x1], $0x80, v4, vm0, $0xb8;
	[tilespmem:$0x10200] =	vst v63  }
0xf5: {  	_ = 	snop  }
0xf6: {  	[hbm4b:s3+s1] =	stream.indirect_vreg.scatter [tilespmem:s2], [sflag:$0x1], $0x80, v3, vm0, $0xb8;
	[tilespmem:$0x10200] =	vst v63  }
0xf7: {  	_ = 	snop  }
0xf8: {  	[hbm4b:s5+s1] =	stream.indirect_vreg.scatter [tilespmem:s4], [sflag:$0x1], $0x80, v3, vm0, $0xb8;
	[tilespmem:$0x10200] =	vst v63  }
0xf9: {  	_ = 	snop  }
0xfa: {  	[hbm4b:s6+s1] =	stream.indirect_vreg.scatter [tilespmem:s10], [sflag:$0x1], $0x80, v3, vm0, $0xb8;
	[tilespmem:$0x10200] =	vst v63  }
0xfb: {  	s20 =	simm.s32 $0x7A00  }
0xfc: {  	[hbm4b:s7+s1] =	stream.indirect_vreg.scatter [tilespmem:s20], [sflag:$0x1], $0x80, v3, vm0, $0xb8;
	[tilespmem:$0x10200] =	vst v63  }
0xfd: {  	v3 =	vld [tilespmem:$0x120];
	_ =	sdelay $0x4  }
0xfe: {  	v58 =	vshll.u32 v3, $0x3  }
0xff: {  	v3 =	vand.u32 $0x7, v3;
	v4 =	vand.u32 $0xFFFFFFC0, v58  }
0x100: {  	v3 =	vor.u32 v3, v4  }
0x101: {  	v4 =	vperm.xlane v3, v0;
	_ =	sdelay $0x1  }
0x102: {  	v4 =	vadd.s32 v1, v4;
	_ =	sdelay $0x4  }
0x103: {  	[hbm4b:s3+s1] =	stream.indirect_vreg.scatter [tilespmem:s14], [sflag:$0x1], $0x80, v4, vm0, $0xb8;
	[tilespmem:$0x10200] =	vst v63  }
0x104: {  	v3 =	vperm.xlane v3, v2  }
0x105: {  	[hbm4b:s5+s1] =	stream.indirect_vreg.scatter [tilespmem:s15], [sflag:$0x1], $0x80, v4, vm0, $0xb8;
	[tilespmem:$0x10200] =	vst v63  }
0x106: {  	v3 =	vadd.s32 v1, v3  }
0x107: {  	[hbm4b:s6+s1] =	stream.indirect_vreg.scatter [tilespmem:s11], [sflag:$0x1], $0x80, v4, vm0, $0xb8;
	[tilespmem:$0x10200] =	vst v63  }
0x108: {  	_ = 	snop  }
0x109: {  	[hbm4b:s7+s1] =	stream.indirect_vreg.scatter [tilespmem:s12], [sflag:$0x1], $0x80, v4, vm0, $0xb8;
	[tilespmem:$0x10200] =	vst v63  }
0x10a: {  	_ = 	snop  }
0x10b: {  	[hbm4b:s3+s1] =	stream.indirect_vreg.scatter [tilespmem:s13], [sflag:$0x1], $0x80, v3, vm0, $0xb8;
	[tilespmem:$0x10200] =	vst v63  }
0x10c: {  	s26 =	simm.s32 $0xAA00  }
0x10d: {  	[hbm4b:s5+s1] =	stream.indirect_vreg.scatter [tilespmem:s26], [sflag:$0x1], $0x80, v3, vm0, $0xb8;
	[tilespmem:$0x10200] =	vst v63  }
0x10e: {  	s25 =	simm.s32 $0xB200  }
0x10f: {  	[hbm4b:s6+s1] =	stream.indirect_vreg.scatter [tilespmem:s25], [sflag:$0x1], $0x80, v3, vm0, $0xb8;
	[tilespmem:$0x10200] =	vst v63  }
0x110: {  	s26 =	simm.s32 $0xBA00  }
0x111: {  	[hbm4b:s7+s1] =	stream.indirect_vreg.scatter [tilespmem:s26], [sflag:$0x1], $0x80, v3, vm0, $0xb8;
	[tilespmem:$0x10200] =	vst v63  }
0x112: {  	v3 =	vld [tilespmem:$0x130];
	_ =	sdelay $0x4  }
0x113: {  	v59 =	vshll.u32 v3, $0x3  }
0x114: {  	v3 =	vand.u32 $0x7, v3;
	v4 =	vand.u32 $0xFFFFFFC0, v59  }
0x115: {  	v3 =	vor.u32 v3, v4  }
0x116: {  	v4 =	vperm.xlane v3, v0;
	_ =	sdelay $0x1  }
0x117: {  	v4 =	vadd.s32 v1, v4;
	_ =	sdelay $0x3  }
0x118: {  	s25 =	simm.s32 $0xC200  }
0x119: {  	[hbm4b:s3+s1] =	stream.indirect_vreg.scatter [tilespmem:s25], [sflag:$0x1], $0x80, v4, vm0, $0xb8;
	[tilespmem:$0x10200] =	vst v63  }
0x11a: {  	s26 =	simm.s32 $0xCA00;
	v3 =	vperm.xlane v3, v2  }
0x11b: {  	[hbm4b:s5+s1] =	stream.indirect_vreg.scatter [tilespmem:s26], [sflag:$0x1], $0x80, v4, vm0, $0xb8;
	[tilespmem:$0x10200] =	vst v63  }
0x11c: {  	s21 =	simm.s32 $0xD200;
	v3 =	vadd.s32 v1, v3  }
0x11d: {  	[hbm4b:s6+s1] =	stream.indirect_vreg.scatter [tilespmem:s21], [sflag:$0x1], $0x80, v4, vm0, $0xb8;
	[tilespmem:$0x10200] =	vst v63  }
0x11e: {  	s28 =	simm.s32 $0xDA00  }
0x11f: {  	[hbm4b:s7+s1] =	stream.indirect_vreg.scatter [tilespmem:s28], [sflag:$0x1], $0x80, v4, vm0, $0xb8;
	[tilespmem:$0x10200] =	vst v63  }
0x120: {  	s22 =	simm.s32 $0xE200  }
0x121: {  	[hbm4b:s3+s1] =	stream.indirect_vreg.scatter [tilespmem:s22], [sflag:$0x1], $0x80, v3, vm0, $0xb8;
	[tilespmem:$0x10200] =	vst v63  }
0x122: {  	s29 =	simm.s32 $0xEA00  }
0x123: {  	[hbm4b:s5+s1] =	stream.indirect_vreg.scatter [tilespmem:s29], [sflag:$0x1], $0x80, v3, vm0, $0xb8;
	[tilespmem:$0x10200] =	vst v63  }
0x124: {  	s23 =	simm.s32 $0xF200  }
0x125: {  	[hbm4b:s6+s1] =	stream.indirect_vreg.scatter [tilespmem:s23], [sflag:$0x1], $0x80, v3, vm0, $0xb8;
	[tilespmem:$0x10200] =	vst v63  }
0x126: {  	s23 =	simm.s32 $0xFA00  }
0x127: {  	[hbm4b:s7+s1] =	stream.indirect_vreg.scatter [tilespmem:s23], [sflag:$0x1], $0x80, v3, vm0, $0xb8;
	[tilespmem:$0x10200] =	vst v63  }
0x128: {  	_ =	swait.ge [sflag:s19], $0x10000  }
0x129: {  	[sflag:s19] =	ssyncset.done $0x0  }
0x12a: {  	s29 =	rddreg [dreg:$0x6];
	[sflag:s19] =	ssyncadd.s32 $0xFFFF0000  }
0x12b: {  	[tilespmem:s24], [sflag:$0x2] =	stream.linear.gather [hbm4b:s29+s1], $0x10000, $0x38;
	[tilespmem:$0x10200] =	vst v63  }
0x12c: {  	_ =	swait.ge [sflag:s9], $0x10000  }
0x12d: {  	[sflag:s9] =	ssyncset.done $0x0  }
0x12e: {  	[sflag:s9] =	ssyncadd.s32 $0xFFFF0000  }
0x12f: {  	v3 =	vld [tilespmem:$0x180];
	_ =	sdelay $0x4  }
0x130: {  	v60 =	vshll.u32 v3, $0x3  }
0x131: {  	v3 =	vand.u32 $0x7, v3;
	v4 =	vand.u32 $0xFFFFFFC0, v60  }
0x132: {  	v3 =	vor.u32 v3, v4  }
0x133: {  	v4 =	vperm.xlane v3, v0;
	_ =	sdelay $0x1  }
0x134: {  	v4 =	vadd.s32 v1, v4;
	_ =	sdelay $0x4  }
0x135: {  	[hbm4b:s3+s1] =	stream.indirect_vreg.scatter [tilespmem:s24], [sflag:$0x1], $0x80, v4, vm0, $0xb8;
	[tilespmem:$0x10200] =	vst v63  }
0x136: {  	s29 =	simm.s32 $0xA00;
	v3 =	vperm.xlane v3, v2  }
0x137: {  	[hbm4b:s5+s1] =	stream.indirect_vreg.scatter [tilespmem:s29], [sflag:$0x1], $0x80, v4, vm0, $0xb8;
	[tilespmem:$0x10200] =	vst v63  }
0x138: {  	s31 =	simm.s32 $0x1200;
	v3 =	vadd.s32 v1, v3  }
0x139: {  	[hbm4b:s6+s1] =	stream.indirect_vreg.scatter [tilespmem:s31], [sflag:$0x1], $0x80, v4, vm0, $0xb8;
	[tilespmem:$0x10200] =	vst v63  }
0x13a: {  	s29 =	simm.s32 $0x1A00  }
0x13b: {  	[hbm4b:s7+s1] =	stream.indirect_vreg.scatter [tilespmem:s29], [sflag:$0x1], $0x80, v4, vm0, $0xb8;
	[tilespmem:$0x10200] =	vst v63  }
0x13c: {  	s31 =	simm.s32 $0x2200  }
0x13d: {  	[hbm4b:s3+s1] =	stream.indirect_vreg.scatter [tilespmem:s31], [sflag:$0x1], $0x80, v3, vm0, $0xb8;
	[tilespmem:$0x10200] =	vst v63  }
0x13e: {  	s29 =	simm.s32 $0x2A00  }
0x13f: {  	[hbm4b:s5+s1] =	stream.indirect_vreg.scatter [tilespmem:s29], [sflag:$0x1], $0x80, v3, vm0, $0xb8;
	[tilespmem:$0x10200] =	vst v63  }
0x140: {  	s31 =	simm.s32 $0x3200  }
0x141: {  	[hbm4b:s6+s1] =	stream.indirect_vreg.scatter [tilespmem:s31], [sflag:$0x1], $0x80, v3, vm0, $0xb8;
	[tilespmem:$0x10200] =	vst v63  }
0x142: {  	s29 =	simm.s32 $0x3A00  }
0x143: {  	[hbm4b:s7+s1] =	stream.indirect_vreg.scatter [tilespmem:s29], [sflag:$0x1], $0x80, v3, vm0, $0xb8;
	[tilespmem:$0x10200] =	vst v63  }
0x144: {  	v3 =	vld [tilespmem:$0x190];
	_ =	sdelay $0x4  }
0x145: {  	v61 =	vshll.u32 v3, $0x3  }
0x146: {  	v3 =	vand.u32 $0x7, v3;
	v4 =	vand.u32 $0xFFFFFFC0, v61  }
0x147: {  	v3 =	vor.u32 v3, v4  }
0x148: {  	v4 =	vperm.xlane v3, v0;
	_ =	sdelay $0x1  }
0x149: {  	v4 =	vadd.s32 v1, v4;
	_ =	sdelay $0x3  }
0x14a: {  	s16 =	simm.s32 $0x4200  }
0x14b: {  	[hbm4b:s3+s1] =	stream.indirect_vreg.scatter [tilespmem:s16], [sflag:$0x1], $0x80, v4, vm0, $0xb8;
	[tilespmem:$0x10200] =	vst v63  }
0x14c: {  	s31 =	simm.s32 $0x4A00;
	v3 =	vperm.xlane v3, v2  }
0x14d: {  	[hbm4b:s5+s1] =	stream.indirect_vreg.scatter [tilespmem:s31], [sflag:$0x1], $0x80, v4, vm0, $0xb8;
	[tilespmem:$0x10200] =	vst v63  }
0x14e: {  	s17 =	simm.s32 $0x5200;
	v3 =	vadd.s32 v1, v3  }
0x14f: {  	[hbm4b:s6+s1] =	stream.indirect_vreg.scatter [tilespmem:s17], [sflag:$0x1], $0x80, v4, vm0, $0xb8;
	[tilespmem:$0x10200] =	vst v63  }
0x150: {  	s0 =	simm.s32 $0x5A00  }
0x151: {  	[hbm4b:s7+s1] =	stream.indirect_vreg.scatter [tilespmem:s0], [sflag:$0x1], $0x80, v4, vm0, $0xb8;
	[tilespmem:$0x10200] =	vst v63  }
0x152: {  	s2 =	simm.s32 $0x6200  }
0x153: {  	[hbm4b:s3+s1] =	stream.indirect_vreg.scatter [tilespmem:s2], [sflag:$0x1], $0x80, v3, vm0, $0xb8;
	[tilespmem:$0x10200] =	vst v63  }
0x154: {  	s4 =	simm.s32 $0x6A00  }
0x155: {  	[hbm4b:s5+s1] =	stream.indirect_vreg.scatter [tilespmem:s4], [sflag:$0x1], $0x80, v3, vm0, $0xb8;
	[tilespmem:$0x10200] =	vst v63  }
0x156: {  	s10 =	simm.s32 $0x7200  }
0x157: {  	[hbm4b:s6+s1] =	stream.indirect_vreg.scatter [tilespmem:s10], [sflag:$0x1], $0x80, v3, vm0, $0xb8;
	[tilespmem:$0x10200] =	vst v63  }
0x158: {  	s20 =	simm.s32 $0x7A00  }
0x159: {  	[hbm4b:s7+s1] =	stream.indirect_vreg.scatter [tilespmem:s20], [sflag:$0x1], $0x80, v3, vm0, $0xb8;
	[tilespmem:$0x10200] =	vst v63  }
0x15a: {  	v3 =	vld [tilespmem:$0x1A0];
	_ =	sdelay $0x4  }
0x15b: {  	v62 =	vshll.u32 v3, $0x3  }
0x15c: {  	v3 =	vand.u32 $0x7, v3;
	v4 =	vand.u32 $0xFFFFFFC0, v62  }
0x15d: {  	v3 =	vor.u32 v3, v4  }
0x15e: {  	v4 =	vperm.xlane v3, v0;
	_ =	sdelay $0x1  }
0x15f: {  	v4 =	vadd.s32 v1, v4;
	_ =	sdelay $0x3  }
0x160: {  	s14 =	simm.s32 $0x8200  }
0x161: {  	[hbm4b:s3+s1] =	stream.indirect_vreg.scatter [tilespmem:s14], [sflag:$0x1], $0x80, v4, vm0, $0xb8;
	[tilespmem:$0x10200] =	vst v63  }
0x162: {  	s15 =	simm.s32 $0x8A00;
	v3 =	vperm.xlane v3, v2  }
0x163: {  	[hbm4b:s5+s1] =	stream.indirect_vreg.scatter [tilespmem:s15], [sflag:$0x1], $0x80, v4, vm0, $0xb8;
	[tilespmem:$0x10200] =	vst v63  }
0x164: {  	s11 =	simm.s32 $0x9200;
	v3 =	vadd.s32 v1, v3  }
0x165: {  	[hbm4b:s6+s1] =	stream.indirect_vreg.scatter [tilespmem:s11], [sflag:$0x1], $0x80, v4, vm0, $0xb8;
	[tilespmem:$0x10200] =	vst v63  }
0x166: {  	s12 =	simm.s32 $0x9A00  }
0x167: {  	[hbm4b:s7+s1] =	stream.indirect_vreg.scatter [tilespmem:s12], [sflag:$0x1], $0x80, v4, vm0, $0xb8;
	[tilespmem:$0x10200] =	vst v63  }
0x168: {  	s13 =	simm.s32 $0xA200  }
0x169: {  	[hbm4b:s3+s1] =	stream.indirect_vreg.scatter [tilespmem:s13], [sflag:$0x1], $0x80, v3, vm0, $0xb8;
	[tilespmem:$0x10200] =	vst v63  }
0x16a: {  	s30 =	simm.s32 $0xAA00  }
0x16b: {  	[hbm4b:s5+s1] =	stream.indirect_vreg.scatter [tilespmem:s30], [sflag:$0x1], $0x80, v3, vm0, $0xb8;
	[tilespmem:$0x10200] =	vst v63  }
0x16c: {  	s18 =	simm.s32 $0xB200  }
0x16d: {  	[hbm4b:s6+s1] =	stream.indirect_vreg.scatter [tilespmem:s18], [sflag:$0x1], $0x80, v3, vm0, $0xb8;
	[tilespmem:$0x10200] =	vst v63  }
0x16e: {  	s29 =	simm.s32 $0xBA00  }
0x16f: {  	[hbm4b:s7+s1] =	stream.indirect_vreg.scatter [tilespmem:s29], [sflag:$0x1], $0x80, v3, vm0, $0xb8;
	[tilespmem:$0x10200] =	vst v63  }
0x170: {  	v3 =	vld [tilespmem:$0x1B0];
	_ =	sdelay $0x4  }
0x171: {  	v63 =	vshll.u32 v3, $0x3  }
0x172: {  	v3 =	vand.u32 $0x7, v3;
	v4 =	vand.u32 $0xFFFFFFC0, v63  }
0x173: {  	v3 =	vor.u32 v3, v4  }
0x174: {  	v4 =	vperm.xlane v3, v0;
	_ =	sdelay $0x1  }
0x175: {  	v4 =	vadd.s32 v1, v4;
	_ =	sdelay $0x3  }
0x176: {  	s30 =	simm.s32 $0xC200  }
0x177: {  	[hbm4b:s3+s1] =	stream.indirect_vreg.scatter [tilespmem:s30], [sflag:$0x1], $0x80, v4, vm0, $0xb8;
	[tilespmem:$0x10200] =	vst v63  }
0x178: {  	s31 =	simm.s32 $0xCA00;
	v3 =	vperm.xlane v3, v2  }
0x179: {  	[hbm4b:s5+s1] =	stream.indirect_vreg.scatter [tilespmem:s31], [sflag:$0x1], $0x80, v4, vm0, $0xb8;
	[tilespmem:$0x10200] =	vst v63  }
0x17a: {  	s25 =	simm.s32 $0xD200;
	v3 =	vadd.s32 v1, v3  }
0x17b: {  	[hbm4b:s6+s1] =	stream.indirect_vreg.scatter [tilespmem:s25], [sflag:$0x1], $0x80, v4, vm0, $0xb8;
	[tilespmem:$0x10200] =	vst v63  }
0x17c: {  	s26 =	simm.s32 $0xDA00  }
0x17d: {  	[hbm4b:s7+s1] =	stream.indirect_vreg.scatter [tilespmem:s26], [sflag:$0x1], $0x80, v4, vm0, $0xb8;
	[tilespmem:$0x10200] =	vst v63  }
0x17e: {  	s21 =	simm.s32 $0xE200  }
0x17f: {  	[hbm4b:s3+s1] =	stream.indirect_vreg.scatter [tilespmem:s21], [sflag:$0x1], $0x80, v3, vm0, $0xb8;
	[tilespmem:$0x10200] =	vst v63  }
0x180: {  	s28 =	simm.s32 $0xEA00  }
0x181: {  	[hbm4b:s5+s1] =	stream.indirect_vreg.scatter [tilespmem:s28], [sflag:$0x1], $0x80, v3, vm0, $0xb8;
	[tilespmem:$0x10200] =	vst v63  }
0x182: {  	p0 =	sne.s32 s8, $0x1;
	s22 =	simm.s32 $0xF200  }
0x183: {  	[hbm4b:s6+s1] =	stream.indirect_vreg.scatter [tilespmem:s22], [sflag:$0x1], $0x80, v3, vm0, $0xb8;
	[tilespmem:$0x10200] =	vst v63  }
.Ltmp0:
0x184: {  	s23 =	simm.s32 $0xFA00;
	(pc) =	sbr.rel @p0 .LBB2_1-.Ltmp0, $4  }
0x185: {  	[hbm4b:s7+s1] =	stream.indirect_vreg.scatter [tilespmem:s23], [sflag:$0x1], $0x80, v3, vm0, $0xb8;
	[tilespmem:$0x10200] =	vst v63  }
0x186: {  	_ =	swait.ge [sflag:s19], $0x10000  }
0x187: {  	[sflag:s19] =	ssyncset.done $0x0  }
0x188: {  	s8 =	sadd.s32 $0xFFFFFFFF, s8;
	[sflag:s19] =	ssyncadd.s32 $0xFFFF0000  }
0x189: {  	_ =	sfence.sel $0x180000  }
0x18a: {  	[bflag:$0x0] =	sbarrier.arrive $0xFFFF  }
0x18b: {  	_ =	strace $0x90000047  }
0x18c: {  	s0 =	stileid.u32;
	[bflag:$0x2] =	sbarrier.arrive $0xFFFF  }
0x18d: {  	p0 =	sne.s32 s0, $0x0;
	s0 =	rddreg [dreg:$0x2]  }
0x18e: {  	s0 =	sadd.s32 @!p0 $0x100000, s0  }
0x18f: {  	[sflag:s0] =	ssyncadd.tile.s32 @!p0 $0x1;
	_ =	shalt  }
.Lfunc_end2:
_tile_overlayer_lowered:
.L_overlay_start_2:
0x190: {  	(tag) =	ssettag $0x2  }
0x191: {  	s0 =	rddreg [dreg:$0x0];
	s2 =	stileid.u32  }
0x192: {  	s1 =	rddreg [dreg:$0x1];
	p0 =	sne.s32 s2, $0x0  }
0x193: {  	s3 =	rddreg [dreg:$0x2];
	[bflag:$0x3] =	sbarrier.arrive $0xFFFF;
	s2 =	simm.s32 @!p0 $0x1C02  }
0x194: {  	[timem:s3], [sflag:s2] =	dma.local @!p0 [hbm:s0], s1  }
0x195: {  	s0 =	simm.s32 @!p0 $0x2  }
0x196: {  	_ =	swait.ge @!p0 [sflag:s0], s1  }
0x197: {  	s1 =	ssub.s32 @!p0 $0x0, s1;
	[sflag:s0] =	ssyncset.done @!p0 $0x0  }
0x198: {  	[sflag:s0] =	ssyncadd.s32 @!p0 s1  }
0x199: {  	[bflag:$0x3] =	sbarrier.arrive $0xFFFF  }
0x19a: {  	_ =	shalt  }

</sc_bundles>
